<compile_context>
chip_gen: v7x
topology: tpu7x:2x2x1
jax: 0.10.2.dev20260603
libtpu: 0.0.44.dev20260713+nightly
codegen_flags: <defaults>
</compile_context>

<pallas_src>
import functools

import jax
import jax.numpy as jnp
from jax import lax
from jax.experimental import pallas as pl
from jax.experimental.pallas import tpu as pltpu
from jax.experimental.pallas import tpu_sc as plsc

_info = plsc.get_sparse_core_info()
_NC, _NS, _L = _info.num_cores, _info.num_subcores, _info.num_lanes
_NW = _NC * _NS

_B, _N = 4096, 512
_NB = _N // 128
_ROWS_W = _B // _NW
_B_ROWS = 32
_N_BLK = _ROWS_W // _B_ROWS
_GROUPS = _B_ROWS * _N // 16
_IN_BUFS = 2
_OUT_BUFS = 2


def _sc_lookup(diag4, grid_flat):
    mesh = plsc.VectorSubcoreMesh(core_axis_name="c", subcore_axis_name="s")

    @functools.partial(
        pl.kernel,
        mesh=mesh,
        out_type=jax.ShapeDtypeStruct((_B // 8, _NB, 8, 128), jnp.float32),
        compiler_params=pltpu.CompilerParams(
            needs_layout_passes=False, use_tc_tiling_on_sc=False
        ),
        scratch_types=[
            pltpu.VMEM((256,), jnp.float32),
            *[pltpu.VMEM((_B_ROWS, _NB, 2, 128), jnp.float32)] * _IN_BUFS,
            *[pltpu.VMEM((_B_ROWS // 8, _NB, 8, 128), jnp.float32)]
            * _OUT_BUFS,
            *[pltpu.SemaphoreType.DMA] * (_IN_BUFS + _OUT_BUFS + 1),
        ],
    )
    def k(diag_hbm, grid_hbm, out_hbm, table_v, *bufs):
        in_bufs = bufs[:_IN_BUFS]
        out_bufs = bufs[_IN_BUFS:_IN_BUFS + _OUT_BUFS]
        isems = bufs[_IN_BUFS + _OUT_BUFS:_IN_BUFS + _OUT_BUFS + _IN_BUFS]
        osems = bufs[2 * _IN_BUFS + _OUT_BUFS:]
        tsem = osems[_OUT_BUFS]
        osems = osems[:_OUT_BUFS]

        wid = lax.axis_index("s") * _NC + lax.axis_index("c")
        base_row = wid * _ROWS_W

        def in_row0(b):
            return base_row + b * _B_ROWS

        table_dma = pltpu.async_copy(grid_hbm, table_v, tsem)
        in_dma = [None] * _N_BLK
        for b in range(_IN_BUFS - 1):
            in_dma[b] = pltpu.async_copy(
                diag_hbm.at[pl.ds(in_row0(b), _B_ROWS)],
                in_bufs[b % _IN_BUFS],
                isems[b % _IN_BUFS],
            )
        table_dma.wait()

        out_dma = [None] * _N_BLK
        for b in range(_N_BLK):
            in_v = in_bufs[b % _IN_BUFS]
            out_v = out_bufs[b % _OUT_BUFS]
            nxt = b + _IN_BUFS - 1
            if nxt < _N_BLK:
                in_dma[nxt] = pltpu.async_copy(
                    diag_hbm.at[pl.ds(in_row0(nxt), _B_ROWS)],
                    in_bufs[nxt % _IN_BUFS],
                    isems[nxt % _IN_BUFS],
                )
            in_dma[b].wait()
            if b >= _OUT_BUFS:
                out_dma[b - _OUT_BUFS].wait()

            @plsc.parallel_loop(0, _GROUPS, unroll=8)
            def grp(g):
                r = g >> 5
                rem = g & 31
                cb = rem >> 3
                c16 = (rem & 7) * 16
                xs = in_v[r, cb, 0, pl.ds(c16, 16)]
                ys = in_v[r, cb, 1, pl.ds(c16, 16)]
                ix = (xs * 16.0).astype(jnp.int32)
                iy = (ys * 16.0).astype(jnp.int32)
                w = plsc.load_gather(table_v, [(ix << 4) | iy])
                out_v[r >> 3, cb, r & 7, pl.ds(c16, 16)] = w

            out_dma[b] = pltpu.async_copy(
                out_v,
                out_hbm.at[pl.ds(in_row0(b) // 8, _B_ROWS // 8)],
                osems[b % _OUT_BUFS],
            )
        for b in range(max(_N_BLK - _OUT_BUFS, 0), _N_BLK):
            out_dma[b].wait()

    return k(diag4, grid_flat)


def kernel(diagrams, grid):
    diag4 = diagrams.reshape(_B, _NB, 128, 2).transpose(0, 1, 3, 2)
    out4 = _sc_lookup(diag4, grid.reshape(-1))
    return out4.transpose(0, 2, 1, 3).reshape(_B, _N)

# --- scband reference (transcript-rebuilt; emitter-appended) ---
"""Pipeline reference for scband-grid-perslay-weight-1614907703766 (READ-ONLY COPY).

The authoritative reference and input builder live on the scoring server;
editing this copy changes nothing except your own understanding.
"""

import jax, jax.numpy as jnp
import numpy as np

GRID_BNDS = ((0.0, 1.0), (0.0, 1.0))


def setup_inputs(seed: int = 0) -> dict:
    key = jax.random.key(seed)
    diagrams = jax.random.uniform(key, (4096, 512, 2), dtype=jnp.float32)
    # learned 16x16 grid of weights, matching the init_kwargs literal (arange(256)*0.01)
    grid = (jnp.arange(256, dtype=jnp.float32) * 0.01).reshape(16, 16)
    return {"diagrams": diagrams, "grid": grid}


def reference(diagrams, grid):
    # Faithful translation of GridPerslayWeight.call:
    # for each of the 2 coordinate dims, map coords into integer grid indices,
    # then gather_nd from the 2D grid -> grid[ix, iy].
    idx = []
    for dim in range(2):
        m, M = GRID_BNDS[dim]
        coords = diagrams[:, :, dim]
        ids = (grid.shape[dim] * (coords - m) / (M - m)).astype(jnp.int32)
        idx.append(ids)
    weight = grid[idx[0], idx[1]]  # equivalent of tf.gather_nd(grid, concat(indices))
    return weight

if __name__ == "__main__":
    import jax
    _d = setup_inputs()
    print(jax.jit(kernel)(*tuple(_d.values())))

</pallas_src>

<mosaic_0001>
#map = affine_map<(d0, d1) -> (0, 0, 0, 0)>
#map1 = affine_map<(d0, d1) -> (0)>
module attributes {stable_mosaic.version = 14 : i64} {
  func.func @k(%arg0: i32, %arg1: i32, %arg2: memref<4096x4x2x128xf32, #tpu.memory_space<hbm>>, %arg3: memref<256xf32, #tpu.memory_space<hbm>>, %arg4: memref<512x4x8x128xf32, #tpu.memory_space<hbm>>, %arg5: memref<256xf32, #tpu.memory_space<vmem>>, %arg6: memref<32x4x2x128xf32, #tpu.memory_space<vmem>>, %arg7: memref<32x4x2x128xf32, #tpu.memory_space<vmem>>, %arg8: memref<4x4x8x128xf32, #tpu.memory_space<vmem>>, %arg9: memref<4x4x8x128xf32, #tpu.memory_space<vmem>>, %arg10: memref<!tpu.dma_semaphore, #tpu.memory_space<semaphore_mem>>, %arg11: memref<!tpu.dma_semaphore, #tpu.memory_space<semaphore_mem>>, %arg12: memref<!tpu.dma_semaphore, #tpu.memory_space<semaphore_mem>>, %arg13: memref<!tpu.dma_semaphore, #tpu.memory_space<semaphore_mem>>, %arg14: memref<!tpu.dma_semaphore, #tpu.memory_space<semaphore_mem>>) attributes {dimension_semantics = [#tpu.dimension_semantics<core_parallel>, #tpu.dimension_semantics<subcore_parallel>], iteration_bounds = array<i64: 2, 16>, scalar_prefetch = 0 : i64, scratch_operands = 10 : i64, tpu.core_type = #tpu.core_type<sc_vector_subcore>, window_params = [{transform_indices = #map}, {transform_indices = #map1}, {transform_indices = #map}]} {
    %mul3A = arith.constant 2 : i32
    %mul3A_0 = arith.muli %arg1, %mul3A : i32
    %add3A = arith.addi %mul3A_0, %arg0 : i32
    %mul3A_1 = arith.constant 128 : i32
    %mul3A_2 = arith.muli %add3A, %mul3A_1 : i32
    tpu.enqueue_dma source(%arg3 : memref<256xf32, #tpu.memory_space<hbm>>) target(%arg5 : memref<256xf32, #tpu.memory_space<vmem>>) target_semaphore(%arg14 : memref<!tpu.dma_semaphore, #tpu.memory_space<semaphore_mem>>)
    %add3A_3 = arith.constant 0 : i32
    %add3A_4 = arith.addi %mul3A_2, %add3A_3 : i32
    %dma_start3A = arith.constant 0 : i32
    %dma_start3A_5 = arith.constant 0 : i32
    %dma_start3A_6 = arith.constant 0 : i32
    %dma_start3A_7 = tpu.memref_slice %arg2[%add3A_4, %dma_start3A, %dma_start3A_5, %dma_start3A_6] : memref<4096x4x2x128xf32, #tpu.memory_space<hbm>> -> memref<32x4x2x128xf32, #tpu.memory_space<hbm>>
    %dma_start3A_8 = arith.constant 0 : i32
    %dma_start3A_9 = arith.constant 0 : i32
    %dma_start3A_10 = arith.constant 0 : i32
    %dma_start3A_11 = tpu.memref_slice %arg2[%add3A_4, %dma_start3A_8, %dma_start3A_9, %dma_start3A_10] : memref<4096x4x2x128xf32, #tpu.memory_space<hbm>> -> memref<32x4x2x128xf32, #tpu.memory_space<hbm>>
    tpu.enqueue_dma source(%dma_start3A_11 : memref<32x4x2x128xf32, #tpu.memory_space<hbm>>) target(%arg6 : memref<32x4x2x128xf32, #tpu.memory_space<vmem>>) target_semaphore(%arg10 : memref<!tpu.dma_semaphore, #tpu.memory_space<semaphore_mem>>)
    tpu.wait_dma2 semaphore(%arg14 : memref<!tpu.dma_semaphore, #tpu.memory_space<semaphore_mem>>) src(%arg3 : memref<256xf32, #tpu.memory_space<hbm>>) dst(%arg5 : memref<256xf32, #tpu.memory_space<vmem>>)
    %add3A_12 = arith.constant 32 : i32
    %add3A_13 = arith.addi %mul3A_2, %add3A_12 : i32
    %dma_start3A_14 = arith.constant 0 : i32
    %dma_start3A_15 = arith.constant 0 : i32
    %dma_start3A_16 = arith.constant 0 : i32
    %dma_start3A_17 = tpu.memref_slice %arg2[%add3A_13, %dma_start3A_14, %dma_start3A_15, %dma_start3A_16] : memref<4096x4x2x128xf32, #tpu.memory_space<hbm>> -> memref<32x4x2x128xf32, #tpu.memory_space<hbm>>
    %dma_start3A_18 = arith.constant 0 : i32
    %dma_start3A_19 = arith.constant 0 : i32
    %dma_start3A_20 = arith.constant 0 : i32
    %dma_start3A_21 = tpu.memref_slice %arg2[%add3A_13, %dma_start3A_18, %dma_start3A_19, %dma_start3A_20] : memref<4096x4x2x128xf32, #tpu.memory_space<hbm>> -> memref<32x4x2x128xf32, #tpu.memory_space<hbm>>
    tpu.enqueue_dma source(%dma_start3A_21 : memref<32x4x2x128xf32, #tpu.memory_space<hbm>>) target(%arg7 : memref<32x4x2x128xf32, #tpu.memory_space<vmem>>) target_semaphore(%arg11 : memref<!tpu.dma_semaphore, #tpu.memory_space<semaphore_mem>>)
    %dma_wait3A = arith.constant 0 : i32
    %dma_wait3A_22 = arith.constant 0 : i32
    %dma_wait3A_23 = arith.constant 0 : i32
    %dma_wait3A_24 = tpu.memref_slice %arg2[%add3A_4, %dma_wait3A, %dma_wait3A_22, %dma_wait3A_23] : memref<4096x4x2x128xf32, #tpu.memory_space<hbm>> -> memref<32x4x2x128xf32, #tpu.memory_space<hbm>>
    %dma_wait3A_25 = arith.constant 0 : i32
    %dma_wait3A_26 = arith.constant 0 : i32
    %dma_wait3A_27 = arith.constant 0 : i32
    %dma_wait3A_28 = tpu.memref_slice %arg2[%add3A_4, %dma_wait3A_25, %dma_wait3A_26, %dma_wait3A_27] : memref<4096x4x2x128xf32, #tpu.memory_space<hbm>> -> memref<32x4x2x128xf32, #tpu.memory_space<hbm>>
    tpu.wait_dma2 semaphore(%arg10 : memref<!tpu.dma_semaphore, #tpu.memory_space<semaphore_mem>>) src(%dma_wait3A_28 : memref<32x4x2x128xf32, #tpu.memory_space<hbm>>) dst(%arg6 : memref<32x4x2x128xf32, #tpu.memory_space<vmem>>)
    %parallel_loop3A = arith.constant 0 : i32
    %parallel_loop3A_29 = arith.constant 1024 : i32
    %parallel_loop3A_30 = arith.constant 1 : i32
    scf.for %parallel_loop3A_244 = %parallel_loop3A to %parallel_loop3A_29 step %parallel_loop3A_30  : i32 {
      %parallel_loop3A_245 = arith.constant 5 : i32
      %parallel_loop3A_246 = arith.shrsi %parallel_loop3A_244, %parallel_loop3A_245 : i32
      %parallel_loop3A_247 = arith.constant 31 : i32
      %parallel_loop3A_248 = arith.andi %parallel_loop3A_244, %parallel_loop3A_247 : i32
      %parallel_loop3A_249 = arith.constant 3 : i32
      %parallel_loop3A_250 = arith.shrsi %parallel_loop3A_248, %parallel_loop3A_249 : i32
      %parallel_loop3A_251 = arith.constant 7 : i32
      %parallel_loop3A_252 = arith.andi %parallel_loop3A_248, %parallel_loop3A_251 : i32
      %parallel_loop3A_253 = arith.constant 16 : i32
      %parallel_loop3A_254 = arith.muli %parallel_loop3A_252, %parallel_loop3A_253 : i32
      %parallel_loop3A_255 = arith.constant 0 : i32
      %parallel_loop3A_256 = arith.index_cast %parallel_loop3A_246 : i32 to index
      %parallel_loop3A_257 = arith.index_cast %parallel_loop3A_250 : i32 to index
      %parallel_loop3A_258 = arith.index_cast %parallel_loop3A_255 : i32 to index
      %parallel_loop3A_259 = arith.index_cast %parallel_loop3A_254 : i32 to index
      %parallel_loop3A_260 = tpu.vector_load %arg6[%parallel_loop3A_256, %parallel_loop3A_257, %parallel_loop3A_258, %parallel_loop3A_259] {strides = array<i32>} : memref<32x4x2x128xf32, #tpu.memory_space<vmem>>, vector<16xf32>,
      %parallel_loop3A_261 = arith.constant 1 : i32
      %parallel_loop3A_262 = arith.index_cast %parallel_loop3A_246 : i32 to index
      %parallel_loop3A_263 = arith.index_cast %parallel_loop3A_250 : i32 to index
      %parallel_loop3A_264 = arith.index_cast %parallel_loop3A_261 : i32 to index
      %parallel_loop3A_265 = arith.index_cast %parallel_loop3A_254 : i32 to index
      %parallel_loop3A_266 = tpu.vector_load %arg6[%parallel_loop3A_262, %parallel_loop3A_263, %parallel_loop3A_264, %parallel_loop3A_265] {strides = array<i32>} : memref<32x4x2x128xf32, #tpu.memory_space<vmem>>, vector<16xf32>,
      %parallel_loop3A_267 = arith.constant 1.600000e+01 : f32
      %parallel_loop3A_268 = vector.broadcast %parallel_loop3A_267 : f32 to vector<16xf32>
      %parallel_loop3A_269 = arith.mulf %parallel_loop3A_260, %parallel_loop3A_268 : vector<16xf32>
      %parallel_loop3A_270 = arith.fptosi %parallel_loop3A_269 : vector<16xf32> to vector<16xi32>
      %parallel_loop3A_271 = arith.constant 1.600000e+01 : f32
      %parallel_loop3A_272 = vector.broadcast %parallel_loop3A_271 : f32 to vector<16xf32>
      %parallel_loop3A_273 = arith.mulf %parallel_loop3A_266, %parallel_loop3A_272 : vector<16xf32>
      %parallel_loop3A_274 = arith.fptosi %parallel_loop3A_273 : vector<16xf32> to vector<16xi32>
      %parallel_loop3A_275 = arith.constant 4 : i32
      %parallel_loop3A_276 = vector.broadcast %parallel_loop3A_275 : i32 to vector<16xi32>
      %parallel_loop3A_277 = arith.shli %parallel_loop3A_270, %parallel_loop3A_276 : vector<16xi32>
      %parallel_loop3A_278 = arith.ori %parallel_loop3A_277, %parallel_loop3A_274 : vector<16xi32>
      %parallel_loop3A_279 = tpu.vector_load_idx %arg5[%parallel_loop3A_278] : memref<256xf32, #tpu.memory_space<vmem>>[vector<16xi32>], vector<16xf32>,
      %parallel_loop3A_280 = arith.constant 3 : i32
      %parallel_loop3A_281 = arith.shrsi %parallel_loop3A_246, %parallel_loop3A_280 : i32
      %parallel_loop3A_282 = arith.constant 7 : i32
      %parallel_loop3A_283 = arith.andi %parallel_loop3A_246, %parallel_loop3A_282 : i32
      %parallel_loop3A_284 = arith.index_cast %parallel_loop3A_281 : i32 to index
      %parallel_loop3A_285 = arith.index_cast %parallel_loop3A_250 : i32 to index
      %parallel_loop3A_286 = arith.index_cast %parallel_loop3A_283 : i32 to index
      %parallel_loop3A_287 = arith.index_cast %parallel_loop3A_254 : i32 to index
      %parallel_loop3A_288 = tpu.vector_load %arg8[%parallel_loop3A_284, %parallel_loop3A_285, %parallel_loop3A_286, %parallel_loop3A_287] {strides = array<i32>} : memref<4x4x8x128xf32, #tpu.memory_space<vmem>>, vector<16xf32>,
      tpu.vector_store %arg8[%parallel_loop3A_284, %parallel_loop3A_285, %parallel_loop3A_286, %parallel_loop3A_287], %parallel_loop3A_279 {strides = array<i32>} : memref<4x4x8x128xf32, #tpu.memory_space<vmem>>, vector<16xf32>,
    } {sc.loop_unroll_factor = 8 : i64, sc.parallel_access}
    %add3A_31 = arith.constant 0 : i32
    %add3A_32 = arith.addi %mul3A_2, %add3A_31 : i32
    %jit3A = arith.constant 8 : i32
    %div3A = arith.divsi %add3A_32, %jit3A : i32
    %sign3A = arith.constant 0 : i32
    %sign3A_33 = arith.cmpi sgt, %add3A_32, %sign3A : i32
    %sign3A_34 = arith.extui %sign3A_33 : i1 to i32
    %sign3A_35 = arith.constant 0 : i32
    %sign3A_36 = arith.cmpi slt, %add3A_32, %sign3A_35 : i32
    %sign3A_37 = arith.extui %sign3A_36 : i1 to i32
    %sign3A_38 = arith.subi %sign3A_34, %sign3A_37 : i32
    %sign3A_39 = arith.constant 0 : i32
    %sign3A_40 = arith.cmpi sgt, %jit3A, %sign3A_39 : i32
    %sign3A_41 = arith.extui %sign3A_40 : i1 to i32
    %sign3A_42 = arith.constant 0 : i32
    %sign3A_43 = arith.cmpi slt, %jit3A, %sign3A_42 : i32
    %sign3A_44 = arith.extui %sign3A_43 : i1 to i32
    %sign3A_45 = arith.subi %sign3A_41, %sign3A_44 : i32
    %ne3A = arith.cmpi ne, %sign3A_38, %sign3A_45 : i32
    %rem3A = arith.remsi %add3A_32, %jit3A : i32
    %ne3A_46 = arith.constant 0 : i32
    %ne3A_47 = arith.cmpi ne, %rem3A, %ne3A_46 : i32
    %and3A = arith.andi %ne3A, %ne3A_47 : i1
    %sub3A = arith.constant 1 : i32
    %sub3A_48 = arith.subi %div3A, %sub3A : i32
    %select_n3A = arith.select %and3A, %sub3A_48, %div3A : i32
    %dma_start3A_49 = arith.constant 0 : i32
    %dma_start3A_50 = arith.constant 0 : i32
    %dma_start3A_51 = arith.constant 0 : i32
    %dma_start3A_52 = tpu.memref_slice %arg4[%select_n3A, %dma_start3A_49, %dma_start3A_50, %dma_start3A_51] : memref<512x4x8x128xf32, #tpu.memory_space<hbm>> -> memref<4x4x8x128xf32, #tpu.memory_space<hbm>>
    %dma_start3A_53 = arith.constant 0 : i32
    %dma_start3A_54 = arith.constant 0 : i32
    %dma_start3A_55 = arith.constant 0 : i32
    %dma_start3A_56 = tpu.memref_slice %arg4[%select_n3A, %dma_start3A_53, %dma_start3A_54, %dma_start3A_55] : memref<512x4x8x128xf32, #tpu.memory_space<hbm>> -> memref<4x4x8x128xf32, #tpu.memory_space<hbm>>
    tpu.enqueue_dma source(%arg8 : memref<4x4x8x128xf32, #tpu.memory_space<vmem>>) target(%dma_start3A_56 : memref<4x4x8x128xf32, #tpu.memory_space<hbm>>) target_semaphore(%arg12 : memref<!tpu.dma_semaphore, #tpu.memory_space<semaphore_mem>>)
    %add3A_57 = arith.constant 64 : i32
    %add3A_58 = arith.addi %mul3A_2, %add3A_57 : i32
    %dma_start3A_59 = arith.constant 0 : i32
    %dma_start3A_60 = arith.constant 0 : i32
    %dma_start3A_61 = arith.constant 0 : i32
    %dma_start3A_62 = tpu.memref_slice %arg2[%add3A_58, %dma_start3A_59, %dma_start3A_60, %dma_start3A_61] : memref<4096x4x2x128xf32, #tpu.memory_space<hbm>> -> memref<32x4x2x128xf32, #tpu.memory_space<hbm>>
    %dma_start3A_63 = arith.constant 0 : i32
    %dma_start3A_64 = arith.constant 0 : i32
    %dma_start3A_65 = arith.constant 0 : i32
    %dma_start3A_66 = tpu.memref_slice %arg2[%add3A_58, %dma_start3A_63, %dma_start3A_64, %dma_start3A_65] : memref<4096x4x2x128xf32, #tpu.memory_space<hbm>> -> memref<32x4x2x128xf32, #tpu.memory_space<hbm>>
    tpu.enqueue_dma source(%dma_start3A_66 : memref<32x4x2x128xf32, #tpu.memory_space<hbm>>) target(%arg6 : memref<32x4x2x128xf32, #tpu.memory_space<vmem>>) target_semaphore(%arg10 : memref<!tpu.dma_semaphore, #tpu.memory_space<semaphore_mem>>)
    %dma_wait3A_67 = arith.constant 0 : i32
    %dma_wait3A_68 = arith.constant 0 : i32
    %dma_wait3A_69 = arith.constant 0 : i32
    %dma_wait3A_70 = tpu.memref_slice %arg2[%add3A_13, %dma_wait3A_67, %dma_wait3A_68, %dma_wait3A_69] : memref<4096x4x2x128xf32, #tpu.memory_space<hbm>> -> memref<32x4x2x128xf32, #tpu.memory_space<hbm>>
    %dma_wait3A_71 = arith.constant 0 : i32
    %dma_wait3A_72 = arith.constant 0 : i32
    %dma_wait3A_73 = arith.constant 0 : i32
    %dma_wait3A_74 = tpu.memref_slice %arg2[%add3A_13, %dma_wait3A_71, %dma_wait3A_72, %dma_wait3A_73] : memref<4096x4x2x128xf32, #tpu.memory_space<hbm>> -> memref<32x4x2x128xf32, #tpu.memory_space<hbm>>
    tpu.wait_dma2 semaphore(%arg11 : memref<!tpu.dma_semaphore, #tpu.memory_space<semaphore_mem>>) src(%dma_wait3A_74 : memref<32x4x2x128xf32, #tpu.memory_space<hbm>>) dst(%arg7 : memref<32x4x2x128xf32, #tpu.memory_space<vmem>>)
    %parallel_loop3A_75 = arith.constant 0 : i32
    %parallel_loop3A_76 = arith.constant 1024 : i32
    %parallel_loop3A_77 = arith.constant 1 : i32
    scf.for %parallel_loop3A_244 = %parallel_loop3A_75 to %parallel_loop3A_76 step %parallel_loop3A_77  : i32 {
      %parallel_loop3A_245 = arith.constant 5 : i32
      %parallel_loop3A_246 = arith.shrsi %parallel_loop3A_244, %parallel_loop3A_245 : i32
      %parallel_loop3A_247 = arith.constant 31 : i32
      %parallel_loop3A_248 = arith.andi %parallel_loop3A_244, %parallel_loop3A_247 : i32
      %parallel_loop3A_249 = arith.constant 3 : i32
      %parallel_loop3A_250 = arith.shrsi %parallel_loop3A_248, %parallel_loop3A_249 : i32
      %parallel_loop3A_251 = arith.constant 7 : i32
      %parallel_loop3A_252 = arith.andi %parallel_loop3A_248, %parallel_loop3A_251 : i32
      %parallel_loop3A_253 = arith.constant 16 : i32
      %parallel_loop3A_254 = arith.muli %parallel_loop3A_252, %parallel_loop3A_253 : i32
      %parallel_loop3A_255 = arith.constant 0 : i32
      %parallel_loop3A_256 = arith.index_cast %parallel_loop3A_246 : i32 to index
      %parallel_loop3A_257 = arith.index_cast %parallel_loop3A_250 : i32 to index
      %parallel_loop3A_258 = arith.index_cast %parallel_loop3A_255 : i32 to index
      %parallel_loop3A_259 = arith.index_cast %parallel_loop3A_254 : i32 to index
      %parallel_loop3A_260 = tpu.vector_load %arg7[%parallel_loop3A_256, %parallel_loop3A_257, %parallel_loop3A_258, %parallel_loop3A_259] {strides = array<i32>} : memref<32x4x2x128xf32, #tpu.memory_space<vmem>>, vector<16xf32>,
      %parallel_loop3A_261 = arith.constant 1 : i32
      %parallel_loop3A_262 = arith.index_cast %parallel_loop3A_246 : i32 to index
      %parallel_loop3A_263 = arith.index_cast %parallel_loop3A_250 : i32 to index
      %parallel_loop3A_264 = arith.index_cast %parallel_loop3A_261 : i32 to index
      %parallel_loop3A_265 = arith.index_cast %parallel_loop3A_254 : i32 to index
      %parallel_loop3A_266 = tpu.vector_load %arg7[%parallel_loop3A_262, %parallel_loop3A_263, %parallel_loop3A_264, %parallel_loop3A_265] {strides = array<i32>} : memref<32x4x2x128xf32, #tpu.memory_space<vmem>>, vector<16xf32>,
      %parallel_loop3A_267 = arith.constant 1.600000e+01 : f32
      %parallel_loop3A_268 = vector.broadcast %parallel_loop3A_267 : f32 to vector<16xf32>
      %parallel_loop3A_269 = arith.mulf %parallel_loop3A_260, %parallel_loop3A_268 : vector<16xf32>
      %parallel_loop3A_270 = arith.fptosi %parallel_loop3A_269 : vector<16xf32> to vector<16xi32>
      %parallel_loop3A_271 = arith.constant 1.600000e+01 : f32
      %parallel_loop3A_272 = vector.broadcast %parallel_loop3A_271 : f32 to vector<16xf32>
      %parallel_loop3A_273 = arith.mulf %parallel_loop3A_266, %parallel_loop3A_272 : vector<16xf32>
      %parallel_loop3A_274 = arith.fptosi %parallel_loop3A_273 : vector<16xf32> to vector<16xi32>
      %parallel_loop3A_275 = arith.constant 4 : i32
      %parallel_loop3A_276 = vector.broadcast %parallel_loop3A_275 : i32 to vector<16xi32>
      %parallel_loop3A_277 = arith.shli %parallel_loop3A_270, %parallel_loop3A_276 : vector<16xi32>
      %parallel_loop3A_278 = arith.ori %parallel_loop3A_277, %parallel_loop3A_274 : vector<16xi32>
      %parallel_loop3A_279 = tpu.vector_load_idx %arg5[%parallel_loop3A_278] : memref<256xf32, #tpu.memory_space<vmem>>[vector<16xi32>], vector<16xf32>,
      %parallel_loop3A_280 = arith.constant 3 : i32
      %parallel_loop3A_281 = arith.shrsi %parallel_loop3A_246, %parallel_loop3A_280 : i32
      %parallel_loop3A_282 = arith.constant 7 : i32
      %parallel_loop3A_283 = arith.andi %parallel_loop3A_246, %parallel_loop3A_282 : i32
      %parallel_loop3A_284 = arith.index_cast %parallel_loop3A_281 : i32 to index
      %parallel_loop3A_285 = arith.index_cast %parallel_loop3A_250 : i32 to index
      %parallel_loop3A_286 = arith.index_cast %parallel_loop3A_283 : i32 to index
      %parallel_loop3A_287 = arith.index_cast %parallel_loop3A_254 : i32 to index
      %parallel_loop3A_288 = tpu.vector_load %arg9[%parallel_loop3A_284, %parallel_loop3A_285, %parallel_loop3A_286, %parallel_loop3A_287] {strides = array<i32>} : memref<4x4x8x128xf32, #tpu.memory_space<vmem>>, vector<16xf32>,
      tpu.vector_store %arg9[%parallel_loop3A_284, %parallel_loop3A_285, %parallel_loop3A_286, %parallel_loop3A_287], %parallel_loop3A_279 {strides = array<i32>} : memref<4x4x8x128xf32, #tpu.memory_space<vmem>>, vector<16xf32>,
    } {sc.loop_unroll_factor = 8 : i64, sc.parallel_access}
    %add3A_78 = arith.constant 32 : i32
    %add3A_79 = arith.addi %mul3A_2, %add3A_78 : i32
    %jit3A_80 = arith.constant 8 : i32
    %div3A_81 = arith.divsi %add3A_79, %jit3A_80 : i32
    %sign3A_82 = arith.constant 0 : i32
    %sign3A_83 = arith.cmpi sgt, %add3A_79, %sign3A_82 : i32
    %sign3A_84 = arith.extui %sign3A_83 : i1 to i32
    %sign3A_85 = arith.constant 0 : i32
    %sign3A_86 = arith.cmpi slt, %add3A_79, %sign3A_85 : i32
    %sign3A_87 = arith.extui %sign3A_86 : i1 to i32
    %sign3A_88 = arith.subi %sign3A_84, %sign3A_87 : i32
    %sign3A_89 = arith.constant 0 : i32
    %sign3A_90 = arith.cmpi sgt, %jit3A_80, %sign3A_89 : i32
    %sign3A_91 = arith.extui %sign3A_90 : i1 to i32
    %sign3A_92 = arith.constant 0 : i32
    %sign3A_93 = arith.cmpi slt, %jit3A_80, %sign3A_92 : i32
    %sign3A_94 = arith.extui %sign3A_93 : i1 to i32
    %sign3A_95 = arith.subi %sign3A_91, %sign3A_94 : i32
    %ne3A_96 = arith.cmpi ne, %sign3A_88, %sign3A_95 : i32
    %rem3A_97 = arith.remsi %add3A_79, %jit3A_80 : i32
    %ne3A_98 = arith.constant 0 : i32
    %ne3A_99 = arith.cmpi ne, %rem3A_97, %ne3A_98 : i32
    %and3A_100 = arith.andi %ne3A_96, %ne3A_99 : i1
    %sub3A_101 = arith.constant 1 : i32
    %sub3A_102 = arith.subi %div3A_81, %sub3A_101 : i32
    %select_n3A_103 = arith.select %and3A_100, %sub3A_102, %div3A_81 : i32
    %dma_start3A_104 = arith.constant 0 : i32
    %dma_start3A_105 = arith.constant 0 : i32
    %dma_start3A_106 = arith.constant 0 : i32
    %dma_start3A_107 = tpu.memref_slice %arg4[%select_n3A_103, %dma_start3A_104, %dma_start3A_105, %dma_start3A_106] : memref<512x4x8x128xf32, #tpu.memory_space<hbm>> -> memref<4x4x8x128xf32, #tpu.memory_space<hbm>>
    %dma_start3A_108 = arith.constant 0 : i32
    %dma_start3A_109 = arith.constant 0 : i32
    %dma_start3A_110 = arith.constant 0 : i32
    %dma_start3A_111 = tpu.memref_slice %arg4[%select_n3A_103, %dma_start3A_108, %dma_start3A_109, %dma_start3A_110] : memref<512x4x8x128xf32, #tpu.memory_space<hbm>> -> memref<4x4x8x128xf32, #tpu.memory_space<hbm>>
    tpu.enqueue_dma source(%arg9 : memref<4x4x8x128xf32, #tpu.memory_space<vmem>>) target(%dma_start3A_111 : memref<4x4x8x128xf32, #tpu.memory_space<hbm>>) target_semaphore(%arg13 : memref<!tpu.dma_semaphore, #tpu.memory_space<semaphore_mem>>)
    %add3A_112 = arith.constant 96 : i32
    %add3A_113 = arith.addi %mul3A_2, %add3A_112 : i32
    %dma_start3A_114 = arith.constant 0 : i32
    %dma_start3A_115 = arith.constant 0 : i32
    %dma_start3A_116 = arith.constant 0 : i32
    %dma_start3A_117 = tpu.memref_slice %arg2[%add3A_113, %dma_start3A_114, %dma_start3A_115, %dma_start3A_116] : memref<4096x4x2x128xf32, #tpu.memory_space<hbm>> -> memref<32x4x2x128xf32, #tpu.memory_space<hbm>>
    %dma_start3A_118 = arith.constant 0 : i32
    %dma_start3A_119 = arith.constant 0 : i32
    %dma_start3A_120 = arith.constant 0 : i32
    %dma_start3A_121 = tpu.memref_slice %arg2[%add3A_113, %dma_start3A_118, %dma_start3A_119, %dma_start3A_120] : memref<4096x4x2x128xf32, #tpu.memory_space<hbm>> -> memref<32x4x2x128xf32, #tpu.memory_space<hbm>>
    tpu.enqueue_dma source(%dma_start3A_121 : memref<32x4x2x128xf32, #tpu.memory_space<hbm>>) target(%arg7 : memref<32x4x2x128xf32, #tpu.memory_space<vmem>>) target_semaphore(%arg11 : memref<!tpu.dma_semaphore, #tpu.memory_space<semaphore_mem>>)
    %dma_wait3A_122 = arith.constant 0 : i32
    %dma_wait3A_123 = arith.constant 0 : i32
    %dma_wait3A_124 = arith.constant 0 : i32
    %dma_wait3A_125 = tpu.memref_slice %arg2[%add3A_58, %dma_wait3A_122, %dma_wait3A_123, %dma_wait3A_124] : memref<4096x4x2x128xf32, #tpu.memory_space<hbm>> -> memref<32x4x2x128xf32, #tpu.memory_space<hbm>>
    %dma_wait3A_126 = arith.constant 0 : i32
    %dma_wait3A_127 = arith.constant 0 : i32
    %dma_wait3A_128 = arith.constant 0 : i32
    %dma_wait3A_129 = tpu.memref_slice %arg2[%add3A_58, %dma_wait3A_126, %dma_wait3A_127, %dma_wait3A_128] : memref<4096x4x2x128xf32, #tpu.memory_space<hbm>> -> memref<32x4x2x128xf32, #tpu.memory_space<hbm>>
    tpu.wait_dma2 semaphore(%arg10 : memref<!tpu.dma_semaphore, #tpu.memory_space<semaphore_mem>>) src(%dma_wait3A_129 : memref<32x4x2x128xf32, #tpu.memory_space<hbm>>) dst(%arg6 : memref<32x4x2x128xf32, #tpu.memory_space<vmem>>)
    %dma_wait3A_130 = arith.constant 0 : i32
    %dma_wait3A_131 = arith.constant 0 : i32
    %dma_wait3A_132 = arith.constant 0 : i32
    %dma_wait3A_133 = tpu.memref_slice %arg4[%select_n3A, %dma_wait3A_130, %dma_wait3A_131, %dma_wait3A_132] : memref<512x4x8x128xf32, #tpu.memory_space<hbm>> -> memref<4x4x8x128xf32, #tpu.memory_space<hbm>>
    %dma_wait3A_134 = arith.constant 0 : i32
    %dma_wait3A_135 = arith.constant 0 : i32
    %dma_wait3A_136 = arith.constant 0 : i32
    %dma_wait3A_137 = tpu.memref_slice %arg4[%select_n3A, %dma_wait3A_134, %dma_wait3A_135, %dma_wait3A_136] : memref<512x4x8x128xf32, #tpu.memory_space<hbm>> -> memref<4x4x8x128xf32, #tpu.memory_space<hbm>>
    tpu.wait_dma2 semaphore(%arg12 : memref<!tpu.dma_semaphore, #tpu.memory_space<semaphore_mem>>) src(%arg8 : memref<4x4x8x128xf32, #tpu.memory_space<vmem>>) dst(%dma_wait3A_137 : memref<4x4x8x128xf32, #tpu.memory_space<hbm>>)
    %parallel_loop3A_138 = arith.constant 0 : i32
    %parallel_loop3A_139 = arith.constant 1024 : i32
    %parallel_loop3A_140 = arith.constant 1 : i32
    scf.for %parallel_loop3A_244 = %parallel_loop3A_138 to %parallel_loop3A_139 step %parallel_loop3A_140  : i32 {
      %parallel_loop3A_245 = arith.constant 5 : i32
      %parallel_loop3A_246 = arith.shrsi %parallel_loop3A_244, %parallel_loop3A_245 : i32
      %parallel_loop3A_247 = arith.constant 31 : i32
      %parallel_loop3A_248 = arith.andi %parallel_loop3A_244, %parallel_loop3A_247 : i32
      %parallel_loop3A_249 = arith.constant 3 : i32
      %parallel_loop3A_250 = arith.shrsi %parallel_loop3A_248, %parallel_loop3A_249 : i32
      %parallel_loop3A_251 = arith.constant 7 : i32
      %parallel_loop3A_252 = arith.andi %parallel_loop3A_248, %parallel_loop3A_251 : i32
      %parallel_loop3A_253 = arith.constant 16 : i32
      %parallel_loop3A_254 = arith.muli %parallel_loop3A_252, %parallel_loop3A_253 : i32
      %parallel_loop3A_255 = arith.constant 0 : i32
      %parallel_loop3A_256 = arith.index_cast %parallel_loop3A_246 : i32 to index
      %parallel_loop3A_257 = arith.index_cast %parallel_loop3A_250 : i32 to index
      %parallel_loop3A_258 = arith.index_cast %parallel_loop3A_255 : i32 to index
      %parallel_loop3A_259 = arith.index_cast %parallel_loop3A_254 : i32 to index
      %parallel_loop3A_260 = tpu.vector_load %arg6[%parallel_loop3A_256, %parallel_loop3A_257, %parallel_loop3A_258, %parallel_loop3A_259] {strides = array<i32>} : memref<32x4x2x128xf32, #tpu.memory_space<vmem>>, vector<16xf32>,
      %parallel_loop3A_261 = arith.constant 1 : i32
      %parallel_loop3A_262 = arith.index_cast %parallel_loop3A_246 : i32 to index
      %parallel_loop3A_263 = arith.index_cast %parallel_loop3A_250 : i32 to index
      %parallel_loop3A_264 = arith.index_cast %parallel_loop3A_261 : i32 to index
      %parallel_loop3A_265 = arith.index_cast %parallel_loop3A_254 : i32 to index
      %parallel_loop3A_266 = tpu.vector_load %arg6[%parallel_loop3A_262, %parallel_loop3A_263, %parallel_loop3A_264, %parallel_loop3A_265] {strides = array<i32>} : memref<32x4x2x128xf32, #tpu.memory_space<vmem>>, vector<16xf32>,
      %parallel_loop3A_267 = arith.constant 1.600000e+01 : f32
      %parallel_loop3A_268 = vector.broadcast %parallel_loop3A_267 : f32 to vector<16xf32>
      %parallel_loop3A_269 = arith.mulf %parallel_loop3A_260, %parallel_loop3A_268 : vector<16xf32>
      %parallel_loop3A_270 = arith.fptosi %parallel_loop3A_269 : vector<16xf32> to vector<16xi32>
      %parallel_loop3A_271 = arith.constant 1.600000e+01 : f32
      %parallel_loop3A_272 = vector.broadcast %parallel_loop3A_271 : f32 to vector<16xf32>
      %parallel_loop3A_273 = arith.mulf %parallel_loop3A_266, %parallel_loop3A_272 : vector<16xf32>
      %parallel_loop3A_274 = arith.fptosi %parallel_loop3A_273 : vector<16xf32> to vector<16xi32>
      %parallel_loop3A_275 = arith.constant 4 : i32
      %parallel_loop3A_276 = vector.broadcast %parallel_loop3A_275 : i32 to vector<16xi32>
      %parallel_loop3A_277 = arith.shli %parallel_loop3A_270, %parallel_loop3A_276 : vector<16xi32>
      %parallel_loop3A_278 = arith.ori %parallel_loop3A_277, %parallel_loop3A_274 : vector<16xi32>
      %parallel_loop3A_279 = tpu.vector_load_idx %arg5[%parallel_loop3A_278] : memref<256xf32, #tpu.memory_space<vmem>>[vector<16xi32>], vector<16xf32>,
      %parallel_loop3A_280 = arith.constant 3 : i32
      %parallel_loop3A_281 = arith.shrsi %parallel_loop3A_246, %parallel_loop3A_280 : i32
      %parallel_loop3A_282 = arith.constant 7 : i32
      %parallel_loop3A_283 = arith.andi %parallel_loop3A_246, %parallel_loop3A_282 : i32
      %parallel_loop3A_284 = arith.index_cast %parallel_loop3A_281 : i32 to index
      %parallel_loop3A_285 = arith.index_cast %parallel_loop3A_250 : i32 to index
      %parallel_loop3A_286 = arith.index_cast %parallel_loop3A_283 : i32 to index
      %parallel_loop3A_287 = arith.index_cast %parallel_loop3A_254 : i32 to index
      %parallel_loop3A_288 = tpu.vector_load %arg8[%parallel_loop3A_284, %parallel_loop3A_285, %parallel_loop3A_286, %parallel_loop3A_287] {strides = array<i32>} : memref<4x4x8x128xf32, #tpu.memory_space<vmem>>, vector<16xf32>,
      tpu.vector_store %arg8[%parallel_loop3A_284, %parallel_loop3A_285, %parallel_loop3A_286, %parallel_loop3A_287], %parallel_loop3A_279 {strides = array<i32>} : memref<4x4x8x128xf32, #tpu.memory_space<vmem>>, vector<16xf32>,
    } {sc.loop_unroll_factor = 8 : i64, sc.parallel_access}
    %add3A_141 = arith.constant 64 : i32
    %add3A_142 = arith.addi %mul3A_2, %add3A_141 : i32
    %jit3A_143 = arith.constant 8 : i32
    %div3A_144 = arith.divsi %add3A_142, %jit3A_143 : i32
    %sign3A_145 = arith.constant 0 : i32
    %sign3A_146 = arith.cmpi sgt, %add3A_142, %sign3A_145 : i32
    %sign3A_147 = arith.extui %sign3A_146 : i1 to i32
    %sign3A_148 = arith.constant 0 : i32
    %sign3A_149 = arith.cmpi slt, %add3A_142, %sign3A_148 : i32
    %sign3A_150 = arith.extui %sign3A_149 : i1 to i32
    %sign3A_151 = arith.subi %sign3A_147, %sign3A_150 : i32
    %sign3A_152 = arith.constant 0 : i32
    %sign3A_153 = arith.cmpi sgt, %jit3A_143, %sign3A_152 : i32
    %sign3A_154 = arith.extui %sign3A_153 : i1 to i32
    %sign3A_155 = arith.constant 0 : i32
    %sign3A_156 = arith.cmpi slt, %jit3A_143, %sign3A_155 : i32
    %sign3A_157 = arith.extui %sign3A_156 : i1 to i32
    %sign3A_158 = arith.subi %sign3A_154, %sign3A_157 : i32
    %ne3A_159 = arith.cmpi ne, %sign3A_151, %sign3A_158 : i32
    %rem3A_160 = arith.remsi %add3A_142, %jit3A_143 : i32
    %ne3A_161 = arith.constant 0 : i32
    %ne3A_162 = arith.cmpi ne, %rem3A_160, %ne3A_161 : i32
    %and3A_163 = arith.andi %ne3A_159, %ne3A_162 : i1
    %sub3A_164 = arith.constant 1 : i32
    %sub3A_165 = arith.subi %div3A_144, %sub3A_164 : i32
    %select_n3A_166 = arith.select %and3A_163, %sub3A_165, %div3A_144 : i32
    %dma_start3A_167 = arith.constant 0 : i32
    %dma_start3A_168 = arith.constant 0 : i32
    %dma_start3A_169 = arith.constant 0 : i32
    %dma_start3A_170 = tpu.memref_slice %arg4[%select_n3A_166, %dma_start3A_167, %dma_start3A_168, %dma_start3A_169] : memref<512x4x8x128xf32, #tpu.memory_space<hbm>> -> memref<4x4x8x128xf32, #tpu.memory_space<hbm>>
    %dma_start3A_171 = arith.constant 0 : i32
    %dma_start3A_172 = arith.constant 0 : i32
    %dma_start3A_173 = arith.constant 0 : i32
    %dma_start3A_174 = tpu.memref_slice %arg4[%select_n3A_166, %dma_start3A_171, %dma_start3A_172, %dma_start3A_173] : memref<512x4x8x128xf32, #tpu.memory_space<hbm>> -> memref<4x4x8x128xf32, #tpu.memory_space<hbm>>
    tpu.enqueue_dma source(%arg8 : memref<4x4x8x128xf32, #tpu.memory_space<vmem>>) target(%dma_start3A_174 : memref<4x4x8x128xf32, #tpu.memory_space<hbm>>) target_semaphore(%arg12 : memref<!tpu.dma_semaphore, #tpu.memory_space<semaphore_mem>>)
    %dma_wait3A_175 = arith.constant 0 : i32
    %dma_wait3A_176 = arith.constant 0 : i32
    %dma_wait3A_177 = arith.constant 0 : i32
    %dma_wait3A_178 = tpu.memref_slice %arg2[%add3A_113, %dma_wait3A_175, %dma_wait3A_176, %dma_wait3A_177] : memref<4096x4x2x128xf32, #tpu.memory_space<hbm>> -> memref<32x4x2x128xf32, #tpu.memory_space<hbm>>
    %dma_wait3A_179 = arith.constant 0 : i32
    %dma_wait3A_180 = arith.constant 0 : i32
    %dma_wait3A_181 = arith.constant 0 : i32
    %dma_wait3A_182 = tpu.memref_slice %arg2[%add3A_113, %dma_wait3A_179, %dma_wait3A_180, %dma_wait3A_181] : memref<4096x4x2x128xf32, #tpu.memory_space<hbm>> -> memref<32x4x2x128xf32, #tpu.memory_space<hbm>>
    tpu.wait_dma2 semaphore(%arg11 : memref<!tpu.dma_semaphore, #tpu.memory_space<semaphore_mem>>) src(%dma_wait3A_182 : memref<32x4x2x128xf32, #tpu.memory_space<hbm>>) dst(%arg7 : memref<32x4x2x128xf32, #tpu.memory_space<vmem>>)
    %dma_wait3A_183 = arith.constant 0 : i32
    %dma_wait3A_184 = arith.constant 0 : i32
    %dma_wait3A_185 = arith.constant 0 : i32
    %dma_wait3A_186 = tpu.memref_slice %arg4[%select_n3A_103, %dma_wait3A_183, %dma_wait3A_184, %dma_wait3A_185] : memref<512x4x8x128xf32, #tpu.memory_space<hbm>> -> memref<4x4x8x128xf32, #tpu.memory_space<hbm>>
    %dma_wait3A_187 = arith.constant 0 : i32
    %dma_wait3A_188 = arith.constant 0 : i32
    %dma_wait3A_189 = arith.constant 0 : i32
    %dma_wait3A_190 = tpu.memref_slice %arg4[%select_n3A_103, %dma_wait3A_187, %dma_wait3A_188, %dma_wait3A_189] : memref<512x4x8x128xf32, #tpu.memory_space<hbm>> -> memref<4x4x8x128xf32, #tpu.memory_space<hbm>>
    tpu.wait_dma2 semaphore(%arg13 : memref<!tpu.dma_semaphore, #tpu.memory_space<semaphore_mem>>) src(%arg9 : memref<4x4x8x128xf32, #tpu.memory_space<vmem>>) dst(%dma_wait3A_190 : memref<4x4x8x128xf32, #tpu.memory_space<hbm>>)
    %parallel_loop3A_191 = arith.constant 0 : i32
    %parallel_loop3A_192 = arith.constant 1024 : i32
    %parallel_loop3A_193 = arith.constant 1 : i32
    scf.for %parallel_loop3A_244 = %parallel_loop3A_191 to %parallel_loop3A_192 step %parallel_loop3A_193  : i32 {
      %parallel_loop3A_245 = arith.constant 5 : i32
      %parallel_loop3A_246 = arith.shrsi %parallel_loop3A_244, %parallel_loop3A_245 : i32
      %parallel_loop3A_247 = arith.constant 31 : i32
      %parallel_loop3A_248 = arith.andi %parallel_loop3A_244, %parallel_loop3A_247 : i32
      %parallel_loop3A_249 = arith.constant 3 : i32
      %parallel_loop3A_250 = arith.shrsi %parallel_loop3A_248, %parallel_loop3A_249 : i32
      %parallel_loop3A_251 = arith.constant 7 : i32
      %parallel_loop3A_252 = arith.andi %parallel_loop3A_248, %parallel_loop3A_251 : i32
      %parallel_loop3A_253 = arith.constant 16 : i32
      %parallel_loop3A_254 = arith.muli %parallel_loop3A_252, %parallel_loop3A_253 : i32
      %parallel_loop3A_255 = arith.constant 0 : i32
      %parallel_loop3A_256 = arith.index_cast %parallel_loop3A_246 : i32 to index
      %parallel_loop3A_257 = arith.index_cast %parallel_loop3A_250 : i32 to index
      %parallel_loop3A_258 = arith.index_cast %parallel_loop3A_255 : i32 to index
      %parallel_loop3A_259 = arith.index_cast %parallel_loop3A_254 : i32 to index
      %parallel_loop3A_260 = tpu.vector_load %arg7[%parallel_loop3A_256, %parallel_loop3A_257, %parallel_loop3A_258, %parallel_loop3A_259] {strides = array<i32>} : memref<32x4x2x128xf32, #tpu.memory_space<vmem>>, vector<16xf32>,
      %parallel_loop3A_261 = arith.constant 1 : i32
      %parallel_loop3A_262 = arith.index_cast %parallel_loop3A_246 : i32 to index
      %parallel_loop3A_263 = arith.index_cast %parallel_loop3A_250 : i32 to index
      %parallel_loop3A_264 = arith.index_cast %parallel_loop3A_261 : i32 to index
      %parallel_loop3A_265 = arith.index_cast %parallel_loop3A_254 : i32 to index
      %parallel_loop3A_266 = tpu.vector_load %arg7[%parallel_loop3A_262, %parallel_loop3A_263, %parallel_loop3A_264, %parallel_loop3A_265] {strides = array<i32>} : memref<32x4x2x128xf32, #tpu.memory_space<vmem>>, vector<16xf32>,
      %parallel_loop3A_267 = arith.constant 1.600000e+01 : f32
      %parallel_loop3A_268 = vector.broadcast %parallel_loop3A_267 : f32 to vector<16xf32>
      %parallel_loop3A_269 = arith.mulf %parallel_loop3A_260, %parallel_loop3A_268 : vector<16xf32>
      %parallel_loop3A_270 = arith.fptosi %parallel_loop3A_269 : vector<16xf32> to vector<16xi32>
      %parallel_loop3A_271 = arith.constant 1.600000e+01 : f32
      %parallel_loop3A_272 = vector.broadcast %parallel_loop3A_271 : f32 to vector<16xf32>
      %parallel_loop3A_273 = arith.mulf %parallel_loop3A_266, %parallel_loop3A_272 : vector<16xf32>
      %parallel_loop3A_274 = arith.fptosi %parallel_loop3A_273 : vector<16xf32> to vector<16xi32>
      %parallel_loop3A_275 = arith.constant 4 : i32
      %parallel_loop3A_276 = vector.broadcast %parallel_loop3A_275 : i32 to vector<16xi32>
      %parallel_loop3A_277 = arith.shli %parallel_loop3A_270, %parallel_loop3A_276 : vector<16xi32>
      %parallel_loop3A_278 = arith.ori %parallel_loop3A_277, %parallel_loop3A_274 : vector<16xi32>
      %parallel_loop3A_279 = tpu.vector_load_idx %arg5[%parallel_loop3A_278] : memref<256xf32, #tpu.memory_space<vmem>>[vector<16xi32>], vector<16xf32>,
      %parallel_loop3A_280 = arith.constant 3 : i32
      %parallel_loop3A_281 = arith.shrsi %parallel_loop3A_246, %parallel_loop3A_280 : i32
      %parallel_loop3A_282 = arith.constant 7 : i32
      %parallel_loop3A_283 = arith.andi %parallel_loop3A_246, %parallel_loop3A_282 : i32
      %parallel_loop3A_284 = arith.index_cast %parallel_loop3A_281 : i32 to index
      %parallel_loop3A_285 = arith.index_cast %parallel_loop3A_250 : i32 to index
      %parallel_loop3A_286 = arith.index_cast %parallel_loop3A_283 : i32 to index
      %parallel_loop3A_287 = arith.index_cast %parallel_loop3A_254 : i32 to index
      %parallel_loop3A_288 = tpu.vector_load %arg9[%parallel_loop3A_284, %parallel_loop3A_285, %parallel_loop3A_286, %parallel_loop3A_287] {strides = array<i32>} : memref<4x4x8x128xf32, #tpu.memory_space<vmem>>, vector<16xf32>,
      tpu.vector_store %arg9[%parallel_loop3A_284, %parallel_loop3A_285, %parallel_loop3A_286, %parallel_loop3A_287], %parallel_loop3A_279 {strides = array<i32>} : memref<4x4x8x128xf32, #tpu.memory_space<vmem>>, vector<16xf32>,
    } {sc.loop_unroll_factor = 8 : i64, sc.parallel_access}
    %add3A_194 = arith.constant 96 : i32
    %add3A_195 = arith.addi %mul3A_2, %add3A_194 : i32
    %jit3A_196 = arith.constant 8 : i32
    %div3A_197 = arith.divsi %add3A_195, %jit3A_196 : i32
    %sign3A_198 = arith.constant 0 : i32
    %sign3A_199 = arith.cmpi sgt, %add3A_195, %sign3A_198 : i32
    %sign3A_200 = arith.extui %sign3A_199 : i1 to i32
    %sign3A_201 = arith.constant 0 : i32
    %sign3A_202 = arith.cmpi slt, %add3A_195, %sign3A_201 : i32
    %sign3A_203 = arith.extui %sign3A_202 : i1 to i32
    %sign3A_204 = arith.subi %sign3A_200, %sign3A_203 : i32
    %sign3A_205 = arith.constant 0 : i32
    %sign3A_206 = arith.cmpi sgt, %jit3A_196, %sign3A_205 : i32
    %sign3A_207 = arith.extui %sign3A_206 : i1 to i32
    %sign3A_208 = arith.constant 0 : i32
    %sign3A_209 = arith.cmpi slt, %jit3A_196, %sign3A_208 : i32
    %sign3A_210 = arith.extui %sign3A_209 : i1 to i32
    %sign3A_211 = arith.subi %sign3A_207, %sign3A_210 : i32
    %ne3A_212 = arith.cmpi ne, %sign3A_204, %sign3A_211 : i32
    %rem3A_213 = arith.remsi %add3A_195, %jit3A_196 : i32
    %ne3A_214 = arith.constant 0 : i32
    %ne3A_215 = arith.cmpi ne, %rem3A_213, %ne3A_214 : i32
    %and3A_216 = arith.andi %ne3A_212, %ne3A_215 : i1
    %sub3A_217 = arith.constant 1 : i32
    %sub3A_218 = arith.subi %div3A_197, %sub3A_217 : i32
    %select_n3A_219 = arith.select %and3A_216, %sub3A_218, %div3A_197 : i32
    %dma_start3A_220 = arith.constant 0 : i32
    %dma_start3A_221 = arith.constant 0 : i32
    %dma_start3A_222 = arith.constant 0 : i32
    %dma_start3A_223 = tpu.memref_slice %arg4[%select_n3A_219, %dma_start3A_220, %dma_start3A_221, %dma_start3A_222] : memref<512x4x8x128xf32, #tpu.memory_space<hbm>> -> memref<4x4x8x128xf32, #tpu.memory_space<hbm>>
    %dma_start3A_224 = arith.constant 0 : i32
    %dma_start3A_225 = arith.constant 0 : i32
    %dma_start3A_226 = arith.constant 0 : i32
    %dma_start3A_227 = tpu.memref_slice %arg4[%select_n3A_219, %dma_start3A_224, %dma_start3A_225, %dma_start3A_226] : memref<512x4x8x128xf32, #tpu.memory_space<hbm>> -> memref<4x4x8x128xf32, #tpu.memory_space<hbm>>
    tpu.enqueue_dma source(%arg9 : memref<4x4x8x128xf32, #tpu.memory_space<vmem>>) target(%dma_start3A_227 : memref<4x4x8x128xf32, #tpu.memory_space<hbm>>) target_semaphore(%arg13 : memref<!tpu.dma_semaphore, #tpu.memory_space<semaphore_mem>>)
    %dma_wait3A_228 = arith.constant 0 : i32
    %dma_wait3A_229 = arith.constant 0 : i32
    %dma_wait3A_230 = arith.constant 0 : i32
    %dma_wait3A_231 = tpu.memref_slice %arg4[%select_n3A_166, %dma_wait3A_228, %dma_wait3A_229, %dma_wait3A_230] : memref<512x4x8x128xf32, #tpu.memory_space<hbm>> -> memref<4x4x8x128xf32, #tpu.memory_space<hbm>>
    %dma_wait3A_232 = arith.constant 0 : i32
    %dma_wait3A_233 = arith.constant 0 : i32
    %dma_wait3A_234 = arith.constant 0 : i32
    %dma_wait3A_235 = tpu.memref_slice %arg4[%select_n3A_166, %dma_wait3A_232, %dma_wait3A_233, %dma_wait3A_234] : memref<512x4x8x128xf32, #tpu.memory_space<hbm>> -> memref<4x4x8x128xf32, #tpu.memory_space<hbm>>
    tpu.wait_dma2 semaphore(%arg12 : memref<!tpu.dma_semaphore, #tpu.memory_space<semaphore_mem>>) src(%arg8 : memref<4x4x8x128xf32, #tpu.memory_space<vmem>>) dst(%dma_wait3A_235 : memref<4x4x8x128xf32, #tpu.memory_space<hbm>>)
    %dma_wait3A_236 = arith.constant 0 : i32
    %dma_wait3A_237 = arith.constant 0 : i32
    %dma_wait3A_238 = arith.constant 0 : i32
    %dma_wait3A_239 = tpu.memref_slice %arg4[%select_n3A_219, %dma_wait3A_236, %dma_wait3A_237, %dma_wait3A_238] : memref<512x4x8x128xf32, #tpu.memory_space<hbm>> -> memref<4x4x8x128xf32, #tpu.memory_space<hbm>>
    %dma_wait3A_240 = arith.constant 0 : i32
    %dma_wait3A_241 = arith.constant 0 : i32
    %dma_wait3A_242 = arith.constant 0 : i32
    %dma_wait3A_243 = tpu.memref_slice %arg4[%select_n3A_219, %dma_wait3A_240, %dma_wait3A_241, %dma_wait3A_242] : memref<512x4x8x128xf32, #tpu.memory_space<hbm>> -> memref<4x4x8x128xf32, #tpu.memory_space<hbm>>
    tpu.wait_dma2 semaphore(%arg13 : memref<!tpu.dma_semaphore, #tpu.memory_space<semaphore_mem>>) src(%arg9 : memref<4x4x8x128xf32, #tpu.memory_space<vmem>>) dst(%dma_wait3A_243 : memref<4x4x8x128xf32, #tpu.memory_space<hbm>>)
    return
  }
}

</mosaic_0001>

<sc_bundles>
// kernel: kernel.3.cloned.1.call-start
scs
__scs_entry_jumppad:
0x0: {  	(pc) =	sbr.rel $0x88, $3  }
0x1: {  	(tag) =	ssettag $0x0;
	lr =	simm.s32 $0x1  }
0x2: {  	[smem:$0x3F9F] =	sst lr;
	_ =	strace $0xD0000000  }
0x3: {  	_ = 	snop  }
0x4: {  	_ = 	snop  }
0x5: {  	_ = 	snop  }
0x6: {  	_ = 	snop  }
0x7: {  	_ = 	snop  }
__scs_overlays_trampoline_lowered:
0x8: {  	[smem:$0x3FAE] =	sst s0  }
0x9: {  	[smem:$0x3FAF] =	sst s1  }
0xa: {  	[smem:$0x3FB0] =	sst s2  }
0xb: {  	[smem:$0x3FB1] =	sst s3  }
0xc: {  	[smem:$0x3FB2] =	sst s4  }
0xd: {  	[smem:$0x3FB3] =	sst s5  }
0xe: {  	[smem:$0x3FB4] =	sst s6  }
0xf: {  	[smem:$0x3FB5] =	sst s7  }
0x10: {  	[smem:$0x3FB6] =	sst s8  }
0x11: {  	[smem:$0x3FB7] =	sst s9;
	s0 =	simm.s32 @!p0 $0x0  }
0x12: {  	s1 =	sld [smem:$0x3F9D];
	s0 =	simm.s32 @p0 $0x1  }
0x13: {  	[smem:$0x3FB8] =	sst s0;
	s0 =	simm.s32 @!p1 $0x0  }
0x14: {  	s2 =	sld [smem:$0x3F9C];
	s0 =	simm.s32 @p1 $0x1  }
0x15: {  	[smem:$0x3FB9] =	sst s0;
	s0 =	simm.s32 @!p2 $0x0  }
0x16: {  	s3 =	sld [smem:$0x3FDB];
	s0 =	simm.s32 @p2 $0x1  }
0x17: {  	s4 =	simm.s32 $0x1BF5;
	[smem:$0x3FBB] =	sst s0  }
0x18: {  	s0 =	sld [smem:$0x3F9E];
	_ =	swait.ge [sflag:s4], $0x0  }
0x19: {  	s7 =	sld [smem:$0x3F9F]  }
0x1a: {  	s8 =	sadd.s32 $0xFFFFE003, lr  }
0x1b: {  	s9 =	sadd.s32 $0xFFFFFEF7, lr;
	s5 =	simm.s32 $0xFFFFFFFF;
	p2 =	slt.u32 s8, $0xFFFFF086  }
0x1c: {  	p1 =	slt.u32 s9, $0xF7A;
	s5 =	simm.s32 @!p2 $0x0  }
0x1d: {  	s5 =	simm.s32 @p1 $0x1;
	p0 =	seq.s32 s7, s2  }
0x1e: {  	s7 =	smul.u32 @!p0 $0xF7A, s2;
	p2 =	seq.s32 @!p0 s5, $0x0  }
0x1f: {  	s9 =	smul.u32 $0xF7A, s1;
	s8 =	simm.s32 @!p0 $0x1BF5;
	p2 =	por !p2, p0  }
0x20: {  	[sflag:s8] =	ssyncset.s32 @!p0 $0xFFFFF086;
	s6 =	sadd.s32 @!p0 s3, s7;
	s7 =	simm.s32 @!p0 $0x108  }
0x21: {  	s3 =	sadd.s32 s3, s9;
	s6 =	sadd.s32 @!p0 $0x88, s6;
	s7 =	simm.s32 @p2 $0x1082  }
0x22: {  	[simem:s7], [sflag:s8] =	dma.local @!p0 [hbm:s6], $0xF7A  }
0x23: {  	s9 =	sor.u32 $0xD0000000, s2;
	s6 =	simm.s32 $0x108;
	_ =	swait.ge @!p0 [sflag:s8], $0x0  }
0x24: {  	s3 =	sadd.s32 $0x88, s3;
	s6 =	simm.s32 @!p1 $0x1082;
	[sflag:s4] =	ssyncset.s32 $0xFFFFF086  }
0x25: {  	[simem:s6], [sflag:s4] =	dma.local [hbm:s3], $0xF7A  }
0x26: {  	[smem:$0x3F9F] =	sst s1;
	(tag) =	ssettag s2;
	_ =	strace s9  }
0x27: {  	s1 =	sld [smem:$0x3FAF]  }
0x28: {  	s2 =	sld [smem:$0x3FB0]  }
0x29: {  	s4 =	sld [smem:$0x3FB2]  }
0x2a: {  	p0 =	seq.s32 s5, $0x0;
	s5 =	sld [smem:$0x3FB3]  }
0x2b: {  	s6 =	sld [smem:$0x3FB4]  }
0x2c: {  	s7 =	sld [smem:$0x3FB5]  }
0x2d: {  	s3 =	simm.s32 $0x108;
	s8 =	sld [smem:$0x3FB6]  }
0x2e: {  	s3 =	simm.s32 @!p0 $0x1082;
	s9 =	sld [smem:$0x3FB7]  }
0x2f: {  	lr =	sadd.s32 s0, s3;
	s0 =	sld [smem:$0x3FAE]  }
0x30: {  	s3 =	sld [smem:$0x3FB1]  }
0x31: {  	[smem:$0x3FBA] =	sst s10  }
0x32: {  	s10 =	sld [smem:$0x3FB8];
	_ =	sdelay $0x3  }
0x33: {  	p0 =	seq.s32 s10, $0x1;
	s10 =	sld [smem:$0x3FBA];
	_ =	sdelay $0x3  }
0x34: {  	[smem:$0x3FBA] =	sst s10  }
0x35: {  	s10 =	sld [smem:$0x3FB9];
	_ =	sdelay $0x3  }
0x36: {  	p1 =	seq.s32 s10, $0x1;
	s10 =	sld [smem:$0x3FBA];
	_ =	sdelay $0x3  }
0x37: {  	[smem:$0x3FBA] =	sst s10  }
0x38: {  	s10 =	sld [smem:$0x3FBB]  }
0x39: {  	_ = 	snop;
	(pc) =	sbr.ind lr, $3  }
0x3a: {  	_ = 	snop  }
0x3b: {  	_ = 	snop  }
0x3c: {  	p2 =	seq.s32 s10, $0x1;
	s10 =	sld [smem:$0x3FBA]  }
0x3d: {  	_ =	shalt  }
0x3e: {  	_ =	shalt  }
0x3f: {  	_ =	shalt  }
0x40: {  	_ =	shalt  }
0x41: {  	_ =	shalt  }
0x42: {  	_ =	shalt  }
0x43: {  	_ =	shalt  }
0x44: {  	_ =	shalt  }
0x45: {  	_ =	shalt  }
0x46: {  	_ =	shalt  }
0x47: {  	_ =	shalt  }
0x48: {  	_ =	shalt  }
0x49: {  	_ =	shalt  }
0x4a: {  	_ =	shalt  }
0x4b: {  	_ =	shalt  }
0x4c: {  	_ =	shalt  }
0x4d: {  	_ =	shalt  }
0x4e: {  	_ =	shalt  }
0x4f: {  	_ =	shalt  }
0x50: {  	_ =	shalt  }
0x51: {  	_ =	shalt  }
0x52: {  	_ =	shalt  }
0x53: {  	_ =	shalt  }
0x54: {  	_ =	shalt  }
0x55: {  	_ =	shalt  }
0x56: {  	_ =	shalt  }
0x57: {  	_ =	shalt  }
0x58: {  	_ =	shalt  }
0x59: {  	_ =	shalt  }
0x5a: {  	_ =	shalt  }
0x5b: {  	_ =	shalt  }
0x5c: {  	_ =	shalt  }
0x5d: {  	_ =	shalt  }
0x5e: {  	_ =	shalt  }
0x5f: {  	_ =	shalt  }
0x60: {  	_ =	shalt  }
0x61: {  	_ =	shalt  }
0x62: {  	_ =	shalt  }
0x63: {  	_ =	shalt  }
0x64: {  	_ =	shalt  }
0x65: {  	_ =	shalt  }
0x66: {  	_ =	shalt  }
0x67: {  	_ =	shalt  }
0x68: {  	_ =	shalt  }
0x69: {  	_ =	shalt  }
0x6a: {  	_ =	shalt  }
0x6b: {  	_ =	shalt  }
0x6c: {  	_ =	shalt  }
0x6d: {  	_ =	shalt  }
0x6e: {  	_ =	shalt  }
0x6f: {  	_ =	shalt  }
0x70: {  	_ =	shalt  }
0x71: {  	_ =	shalt  }
0x72: {  	_ =	shalt  }
0x73: {  	_ =	shalt  }
0x74: {  	_ =	shalt  }
0x75: {  	_ =	shalt  }
0x76: {  	_ =	shalt  }
0x77: {  	_ =	shalt  }
0x78: {  	_ =	shalt  }
0x79: {  	_ =	shalt  }
0x7a: {  	_ =	shalt  }
0x7b: {  	_ =	shalt  }
0x7c: {  	_ =	shalt  }
0x7d: {  	_ =	shalt  }
0x7e: {  	_ =	shalt  }
0x7f: {  	_ =	shalt  }
0x80: {  	_ =	shalt  }
0x81: {  	_ =	shalt  }
0x82: {  	_ =	shalt  }
0x83: {  	_ =	shalt  }
0x84: {  	_ =	shalt  }
0x85: {  	_ =	shalt  }
0x86: {  	_ =	shalt  }
0x87: {  	_ =	shalt  }
.Lfunc_end0:
.L_simem_size_0:
called_computation_lowered:
.L_overlay_start_0:
0x88: {  	s2 =	sld [smem:$0x3FD9]  }
0x89: {  	s3 =	sld [smem:$0x3FFE];
	_ =	sdelay $0x1  }
0x8a: {  	s1 =	srdreg.scid  }
0x8b: {  	s0 =	sand.u32 $0x1, s1  }
0x8c: {  	s17 =	sshll.u32 s0, $0xA;
	s2 =	sadd.s32 s3, s2  }
0x8d: {  	s2 =	sadd.s32 s2, s17  }
0x8e: {  	[smem:$0x3FC6] =	sst s2  }
0x8f: {  	_ = 	snop  }
0x90: {  	s2 =	sld [smem:$0x3FC9]  }
0x91: {  	s18 =	sld [smem:$0x3FD0];
	(tm) =	ssettm $0x1  }
0x92: {  	s4 =	sld [smem:$0x3FFB];
	_ =	sdelay $0x3  }
0x93: {  	_ =	strace s4  }
0x94: {  	s4 =	sld [smem:$0x3FFC];
	_ =	sdelay $0x3  }
0x95: {  	_ =	strace s4  }
0x96: {  	s4 =	sld [smem:$0x3FFD];
	_ =	sdelay $0x3  }
0x97: {  	_ =	strace s4  }
0x98: {  	_ =	strace $0x8FFFFFFF  }
0x99: {  	s19 =	sld [smem:$0x3FDB];
	_ =	sdelay $0x1  }
0x9a: {  	s5 =	simm.s32 $_scs_section_size  }
0x9b: {  	s6 =	simm.s32 $_size__tile_overlayer_lowered;
	s7 =	simm.s32 $_tile_overlayer_lowered  }
0x9c: {  	s22 =	simm.s32 $0x1BFF;
	s21 =	sshll.u32 s7, $0x1;
	s4 =	sadd.s32 s5, s19  }
0x9d: {  	s8 =	simm.s32 $0x0;
	s20 =	sshll.u32 s6, $0x1;
	s6 =	sadd.s32 s21, s4  }
0x9e: {  	[timem:s8], [sflag:s22] =	dma.local [hbm:s6], s20  }
0x9f: {  	_ =	swait.ge [sflag:s22], s20  }
0xa0: {  	s5 =	ssub.s32 $0x0, s20;
	[sflag:s22] =	ssyncset.done $0x0  }
0xa1: {  	[sflag:s22] =	ssyncadd.s32 s5;
	_ =	sdelay $0x1  }
0xa2: {  	s23 =	simm.s32 $0x1B8B  }
0xa3: {  	_ =	swait.ge [sflag:s23], $0x1  }
0xa4: {  	[sflag:s23] =	ssyncset.done $0x0  }
0xa5: {  	s25 =	simm.s32 $0x1B8E;
	s24 =	sld [smem:$0x3FFE];
	[sflag:s23] =	ssyncadd.s32 $0xFFFFFFFF  }
0xa6: {  	s26 =	simm.s32 $execute0_lowered;
	[smem:$0x3FD2] =	sst s25  }
0xa7: {  	s6 =	sshll.u32 s26, $0x1;
	_ =	strace $0x80000046;
	[dreg:$0x1] =	wrdreg $0xFFFFFFFF  }
0xa8: {  	s28 =	simm.s32 $_size_execute0_lowered;
	s4 =	sadd.s32 s4, s6;
	[dreg:$0x0] =	wrdreg $0x0  }
0xa9: {  	s6 =	sshll.u32 s28, $0x1;
	[dreg:$0x2] =	wrdreg s4  }
0xaa: {  	[dreg:$0x3] =	wrdreg s6  }
0xab: {  	[dreg:$0x4] =	wrdreg $0xC0  }
0xac: {  	_ =	task [dreg:s8], $0x5FFFF  }
0xad: {  	[dreg:$0x1] =	wrdreg $0xFFFFFFFF  }
0xae: {  	[dreg:$0x0] =	wrdreg $0x60  }
0xaf: {  	[dreg:$0x2] =	wrdreg s2  }
0xb0: {  	[dreg:$0x3] =	wrdreg s24  }
0xb1: {  	[dreg:$0x4] =	wrdreg s18  }
0xb2: {  	[dreg:$0x5] =	wrdreg $0x9  }
0xb3: {  	_ =	task.clear_ibuf [dreg:s8], $0x6FFFF;
	_ =	strace $0x90000046  }
0xb4: {  	s29 =	simm.s32 $0x9;
	_ =	strace $0x80000048  }
0xb5: {  	_ =	swait.ge [sflag:s29], $0x1  }
0xb6: {  	[sflag:s29] =	ssyncadd.s32 $0xFFFFFFFF  }
0xb7: {  	_ =	strace $0x90000048  }
0xb8: {  	_ =	sfence  }
0xb9: {  	s30 =	sld [smem:$0x0];
	_ =	sdelay $0x2  }
0xba: {  	s31 =	sshll.u32 s1, $0xD;
	s1 =	sshrl.u32 s1, $0x2  }
0xbb: {  	s3 =	sand.u32 $0x4000, s31;
	s1 =	sadd.s32 s1, s30  }
0xbc: {  	s0 =	sor.u32 s3, s0;
	s1 =	sshll.u32 s1, $0x11  }
0xbd: {  	s0 =	sor.u32 s1, s0  }
0xbe: {  	s0 =	sadd.s32 $0x8F2B, s0  }
0xbf: {  	[sflag:s0] =	ssyncadd.remote.s32 $0x1  }
0xc0: {  	_ =	sfence.sel $0xFFFF  }
0xc1: {  	[dreg:$0x0] =	wrdreg $0xFFFFFFFF;
	(pc) =	sbr.abs _section_cstart, $3  }
0xc2: {  	[dreg:$0x1] =	wrdreg $0xFFFFFFFF  }
0xc3: {  	_ =	task.clear_ibuf [dreg:s8], $0x2FFFF;
	_ =	strace $0x9FFFFFFF  }
0xc4: {  	(tm) =	ssettm $0x7FFFFFFF  }
0xc5: {  	_ =	shalt  }
tec
execute0_lowered:
.L_overlay_start_1:
0x0: {  	(tag) =	ssettag $0x1  }
0x1: {  	s9 =	rddreg [dreg:$0x0]  }
0x2: {  	s3 =	rddreg [dreg:$0x1]  }
0x3: {  	s11 =	rddreg [dreg:$0x2];
	s4 =	srdreg.scid  }
0x4: {  	s2 =	simm.s32 $0x0;
	s0 =	stileid.u32;
	s15 =	simm.s32 $0x8100  }
0x5: {  	s16 =	simm.s32 $0x1;
	s17 =	simm.s32 $0x10100;
	s18 =	simm.s32 $0x2  }
0x6: {  	s19 =	simm.s32 $0x14100;
	s20 =	simm.s32 $0x3;
	s21 =	simm.s32 $0x4  }
0x7: {  	s22 =	simm.s32 $0x0;
	s4 =	sand.u32 $0x1, s4;
	[smem:$0x7FF] =	sst s2  }
0x8: {  	s5 =	sshll.u32 s0, $0x8;
	s6 =	sshll.u32 s4, $0x7;
	s4 =	ssub.s32 $0x2, s4  }
0x9: {  	s3 =	sadd.s32 $0x400, s3;
	s8 =	sor.u32 s6, s5;
	s26 =	sshrl.u32 s4, $0x1  }
0xa: {  	_ =	strace $0x80000047;
	s6 =	sshll.u32 s8, $0x7;
	s12 =	ssub.s32 s4, s26  }
0xb: {  	s10 =	sor.u32 $0x20, s8;
	s29 =	sshll.u32 s8, $0x6;
	s13 =	sor.u32 $0x40, s8  }
0xc: {  	s14 =	sor.u32 $0x60, s8;
	s4 =	sadd.s32 s9, s6;
	s28 =	sshll.u32 s10, $0x7  }
0xd: {  	s6 =	sadd.s32 s11, s29;
	s7 =	sshll.u32 s13, $0x7;
	s10 =	sshll.u32 s10, $0x6  }
0xe: {  	s30 =	sshll.u32 s14, $0x7;
	s13 =	sshll.u32 s13, $0x6;
	s31 =	sshll.u32 s14, $0x6  }
0xf: {  	s12 =	smax.u32 s12, $0x1;
	s14 =	simm.s32 $0x5;
	s5 =	sadd.s32 s9, s28  }
0x10: {  	s7 =	sadd.s32 s9, s7;
	s8 =	sadd.s32 s11, s10;
	s9 =	sadd.s32 s9, s30  }
0x11: {  	s10 =	sadd.s32 s11, s13;
	s11 =	sadd.s32 s11, s31;
	s13 =	simm.s32 $0x100  }
.LBB2_1:
0x12: {  	[tilespmem:s2], [sflag:$0x5] =	stream.linear.gather [hbm4b:s3+s2], $0x100, $0x38;
	[tilespmem:$0x18100] =	vst v63  }
0x13: {  	_ = 	snop  }
0x14: {  	[tilespmem:s13], [sflag:$0x1] =	stream.linear.gather [hbm4b:s4+s2], $0x8000, $0x38;
	[tilespmem:$0x18100] =	vst v63  }
0x15: {  	_ =	swait.ge [sflag:s14], $0x100  }
0x16: {  	[sflag:s14] =	ssyncset.done $0x0  }
0x17: {  	s23 =	simm.s32 $0x0;
	[sflag:s14] =	ssyncadd.s32 $0xFFFFFF00  }
0x18: {  	[tilespmem:s15], [sflag:$0x2] =	stream.linear.gather [hbm4b:s5+s2], $0x8000, $0x38;
	[tilespmem:$0x18100] =	vst v63  }
0x19: {  	s24 =	simm.s32 $0x0;
	s23 =	sand.u32 $0xC00, s23;
	_ =	swait.ge [sflag:s16], $0x8000  }
0x1a: {  	s24 =	sand.u32 $0x3FFFFC00, s24;
	s25 =	sshrl.u32 s23, $0x2;
	[sflag:s16] =	ssyncset.done $0x0  }
0x1b: {  	s24 =	sor.u32 s25, s24;
	[sflag:s16] =	ssyncadd.s32 $0xFFFF8000  }
0x1c: {  	v0 =	vld [tilespmem:s24+$0x170]  }
0x1d: {  	v1 =	vld [tilespmem:s24+$0x1F0]  }
0x1e: {  	v2 =	vld [tilespmem:s24+$0x100]  }
0x1f: {  	v3 =	vld [tilespmem:s24+$0x110]  }
0x20: {  	v4 =	vld [tilespmem:s24+$0x120]  }
0x21: {  	v5 =	vld [tilespmem:s24+$0x130]  }
0x22: {  	v6 =	vld [tilespmem:s24+$0x140]  }
0x23: {  	v7 =	vld [tilespmem:s24+$0x150]  }
0x24: {  	v8 =	vld [tilespmem:s24+$0x160]  }
0x25: {  	v9 =	vld [tilespmem:s24+$0x180]  }
0x26: {  	v10 =	vld [tilespmem:s24+$0x190]  }
0x27: {  	v11 =	vld [tilespmem:s24+$0x1A0]  }
0x28: {  	s25 =	simm.s32 $0x400;
	v12 =	vld [tilespmem:s24+$0x1B0]  }
0x29: {  	s26 =	simm.s32 $0x100;
	s28 =	sand.u32 $0xC00, s25;
	v13 =	vld [tilespmem:s24+$0x1C0]  }
0x2a: {  	s31 =	sand.u32 $0x3FFFFC00, s26;
	s0 =	sshrl.u32 s28, $0x2;
	v14 =	vld [tilespmem:s24+$0x1D0];
	v0 =	vmul.f32 $1.600000000e+01, v0  }
0x2b: {  	v15 =	vld [tilespmem:s24+$0x1E0];
	s24 =	sor.u32 s0, s31;
	v1 =	vmul.f32 $1.600000000e+01, v1;
	v2 =	vmul.f32 $1.600000000e+01, v2  }
0x2c: {  	v18 =	vld [tilespmem:s24+$0x120];
	v3 =	vmul.f32 $1.600000000e+01, v3;
	v4 =	vmul.f32 $1.600000000e+01, v4  }
0x2d: {  	v5 =	vmul.f32 $1.600000000e+01, v5;
	v6 =	vmul.f32 $1.600000000e+01, v6  }
0x2e: {  	v7 =	vmul.f32 $1.600000000e+01, v7;
	v8 =	vmul.f32 $1.600000000e+01, v8  }
0x2f: {  	v9 =	vmul.f32 $1.600000000e+01, v9;
	v10 =	vmul.f32 $1.600000000e+01, v10  }
0x30: {  	v11 =	vmul.f32 $1.600000000e+01, v11;
	v12 =	vmul.f32 $1.600000000e+01, v12  }
0x31: {  	v18 =	vmul.f32 $1.600000000e+01, v18;
	v0 =	vtrunc.f32 v0  }
0x32: {  	v1 =	vtrunc.f32 v1;
	v2 =	vtrunc.f32 v2  }
0x33: {  	v3 =	vtrunc.f32 v3;
	v4 =	vtrunc.f32 v4  }
0x34: {  	v5 =	vtrunc.f32 v5;
	v6 =	vtrunc.f32 v6  }
0x35: {  	v7 =	vtrunc.f32 v7;
	v0 =	vcvt.f32.s32 v0  }
0x36: {  	v8 =	vtrunc.f32 v8;
	v1 =	vcvt.f32.s32 v1  }
0x37: {  	v3 =	vcvt.f32.s32 v3;
	v4 =	vcvt.f32.s32 v4;
	v0 =	vshll.u32 v0, $0x4  }
0x38: {  	v5 =	vcvt.f32.s32 v5;
	v6 =	vcvt.f32.s32 v6;
	v0 =	vor.u32 v1, v0  }
0x39: {  	v7 =	vcvt.f32.s32 v7;
	v1 =	vcvt.f32.s32 v2  }
0x3a: {  	v2 =	vmul.f32 $1.600000000e+01, v13;
	v13 =	vmul.f32 $1.600000000e+01, v14  }
0x3b: {  	v16 =	vld [tilespmem:s24+$0x100];
	v14 =	vmul.f32 $1.600000000e+01, v15;
	v15 =	vcvt.f32.s32 v8  }
0x3c: {  	v29 =	vld [tilespmem:s24+$0x1B0];
	v8 =	vtrunc.f32 v10;
	v10 =	vtrunc.f32 v11  }
0x3d: {  	v11 =	vtrunc.f32 v12;
	v8 =	vcvt.f32.s32 v8;
	v21 =	vld.idx.msk [tilespmem:v0+s2+$0x0], $0xffff  }
0x3e: {  	v10 =	vcvt.f32.s32 v10;
	v0 =	vtrunc.f32 v9;
	v9 =	vld [tilespmem:s24+$0x170]  }
0x3f: {  	v12 =	vld [tilespmem:s24+$0x1F0];
	v11 =	vcvt.f32.s32 v11;
	v2 =	vtrunc.f32 v2  }
0x40: {  	v13 =	vtrunc.f32 v13;
	v14 =	vtrunc.f32 v14  }
0x41: {  	v17 =	vld [tilespmem:s24+$0x110];
	v4 =	vshll.u32 v4, $0x4;
	v19 =	vcvt.f32.s32 v2;
	v20 =	vcvt.f32.s32 v13  }
0x42: {  	v2 =	vshll.u32 v3, $0x4;
	v3 =	vld [tilespmem:s24+$0x130];
	v22 =	vcvt.f32.s32 v14;
	v14 =	vmul.f32 $1.600000000e+01, v16  }
0x43: {  	v13 =	vld [tilespmem:s24+$0x140];
	v30 =	vor.u32 v10, v4;
	v10 =	vmul.f32 $1.600000000e+01, v29;
	v9 =	vmul.f32 $1.600000000e+01, v9  }
0x44: {  	v23 =	vld [tilespmem:s24+$0x160];
	v5 =	vshll.u32 v5, $0x4;
	v12 =	vmul.f32 $1.600000000e+01, v12;
	v25 =	vtrunc.f32 v14  }
0x45: {  	v1 =	vshll.u32 v1, $0x4;
	v16 =	vld [tilespmem:s24+$0x150];
	v0 =	vcvt.f32.s32 v0;
	v9 =	vtrunc.f32 v9  }
0x46: {  	v27 =	vor.u32 v8, v2;
	v12 =	vtrunc.f32 v12;
	v9 =	vcvt.f32.s32 v9  }
0x47: {  	v24 =	vor.u32 v0, v1;
	v0 =	vld [tilespmem:s24+$0x180];
	v1 =	vmul.f32 $1.600000000e+01, v17;
	v12 =	vcvt.f32.s32 v12  }
0x48: {  	v17 =	vld [tilespmem:s24+$0x190];
	v3 =	vmul.f32 $1.600000000e+01, v3;
	v26 =	vmul.f32 $1.600000000e+01, v13;
	v9 =	vshll.u32 v9, $0x4  }
0x49: {  	v31 =	vld [tilespmem:s24+$0x1C0];
	v13 =	vtrunc.f32 v18;
	v18 =	vmul.f32 $1.600000000e+01, v23;
	v9 =	vor.u32 v12, v9  }
0x4a: {  	v2 =	vor.u32 v11, v5;
	v11 =	vld [tilespmem:s24+$0x1D0];
	v28 =	vtrunc.f32 v1;
	v1 =	vmul.f32 $1.600000000e+01, v16  }
0x4b: {  	s1 =	sand.u32 $0x3000, s2;
	s26 =	simm.s32 $0x0;
	v6 =	vshll.u32 v6, $0x4;
	v14 =	vtrunc.f32 v3;
	v16 =	vtrunc.f32 v26;
	v12 =	vld [tilespmem:s24+$0x1A0]  }
0x4c: {  	s23 =	sor.u32 s23, s1;
	s31 =	sand.u32 $0x380, s26;
	v18 =	vtrunc.f32 v18;
	v4 =	vmul.f32 $1.600000000e+01, v0;
	v0 =	vor.u32 v19, v6;
	v19 =	vld [tilespmem:s24+$0x1E0]  }
0x4d: {  	v3 =	vshll.u32 v7, $0x4;
	v5 =	vmul.f32 $1.600000000e+01, v17;
	v17 =	vtrunc.f32 v1;
	v6 =	vld.idx.msk [tilespmem:v24+s2+$0x0], $0xffff;
	s24 =	sor.u32 s23, s31  }
0x4e: {  	s30 =	simm.s32 $0x20;
	s26 =	simm.s32 $0x80;
	v1 =	vor.u32 v20, v3;
	v3 =	vshll.u32 v15, $0x4;
	v20 =	vcvt.f32.s32 v25;
	s23 =	sadd.s32 $0x10100, s24;
	v8 =	vld.idx.msk [tilespmem:v9+s2+$0x0], $0xffff  }
0x4f: {  	s30 =	sand.u32 $0x380, s30;
	s29 =	sand.u32 $0x3000, s26;
	v15 =	vmul.f32 $1.600000000e+01, v11;
	v11 =	vld.idx.msk [tilespmem:v30+s2+$0x0], $0xffff;
	v3 =	vor.u32 v22, v3;
	[tilespmem:s23+$0x70] =	vst v21;
	v21 =	vcvt.f32.s32 v28  }
0x50: {  	s25 =	simm.s32 $0x8;
	s29 =	sor.u32 s28, s29;
	s28 =	simm.s32 $0x2;
	v7 =	vmul.f32 $1.600000000e+01, v12;
	v12 =	vmul.f32 $1.600000000e+01, v31;
	v9 =	vld.idx.msk [tilespmem:v27+s2+$0x0], $0xffff  }
.LBB2_2:
0x51: {  	s25 =	sadd.s32 $0x8, s25;
	s31 =	sshll.u32 s28, $0xA;
	v20 =	vshll.u32 v20, $0x4;
	s0 =	sor.u32 s29, s30;
	v13 =	vcvt.f32.s32 v13;
	v19 =	vmul.f32 $1.600000000e+01, v19;
	v2 =	vld.idx.msk [tilespmem:v2+s2+$0x0], $0xffff  }
0x52: {  	v14 =	vcvt.f32.s32 v14;
	v16 =	vcvt.f32.s32 v16;
	s30 =	sshll.u32 s25, $0x5;
	s29 =	sand.u32 $0xC00, s31;
	s31 =	sadd.s32 $0x10100, s0;
	v21 =	vshll.u32 v21, $0x4;
	v0 =	vld.idx.msk [tilespmem:v0+s2+$0x0], $0xffff  }
0x53: {  	v17 =	vcvt.f32.s32 v17;
	v18 =	vcvt.f32.s32 v18;
	p0 =	slt.u32 s25, $0x3F8;
	s30 =	sand.u32 $0x3FFFFC00, s30;
	s1 =	sshrl.u32 s29, $0x2;
	v13 =	vshll.u32 v13, $0x4;
	[tilespmem:s31+$0x70] =	vst v8;
	v1 =	vld.idx.msk [tilespmem:v1+s2+$0x0], $0xffff  }
0x54: {  	v4 =	vtrunc.f32 v4;
	v5 =	vtrunc.f32 v5;
	v8 =	vshll.u32 v14, $0x4;
	s30 =	sor.u32 s1, s30;
	[tilespmem:s24+$0x10100] =	vst v6;
	v3 =	vld.idx.msk [tilespmem:v3+s2+$0x0], $0xffff;
	s24 =	smov.u32 s0  }
0x55: {  	v7 =	vtrunc.f32 v7;
	v10 =	vtrunc.f32 v10;
	v14 =	vshll.u32 v16, $0x4;
	v6 =	vld [tilespmem:s30+$0x170];
	[tilespmem:s23+$0x10] =	vst v9  }
0x56: {  	v12 =	vtrunc.f32 v12;
	v15 =	vtrunc.f32 v15;
	v16 =	vshll.u32 v17, $0x4;
	v9 =	vld [tilespmem:s30+$0x1F0];
	[tilespmem:s23+$0x20] =	vst v11  }
0x57: {  	v4 =	vcvt.f32.s32 v4;
	v17 =	vtrunc.f32 v19;
	v18 =	vshll.u32 v18, $0x4;
	v11 =	vld [tilespmem:s30+$0x100];
	[tilespmem:s23+$0x30] =	vst v2  }
0x58: {  	v2 =	vcvt.f32.s32 v5;
	v5 =	vcvt.f32.s32 v7;
	v19 =	vld [tilespmem:s30+$0x110];
	[tilespmem:s23+$0x40] =	vst v0  }
0x59: {  	v20 =	vor.u32 v4, v20;
	v4 =	vcvt.f32.s32 v12;
	v0 =	vcvt.f32.s32 v10;
	v7 =	vld [tilespmem:s30+$0x120];
	[tilespmem:s23+$0x50] =	vst v1  }
0x5a: {  	v21 =	vor.u32 v2, v21;
	v10 =	vld [tilespmem:s30+$0x130];
	v1 =	vmul.f32 $1.600000000e+01, v6;
	v6 =	vcvt.f32.s32 v15;
	[tilespmem:s23+$0x60] =	vst v3;
	s23 =	smov.u32 s31  }
0x5b: {  	v22 =	vor.u32 v5, v13;
	v5 =	vcvt.f32.s32 v17;
	v3 =	vld [tilespmem:s30+$0x140];
	v9 =	vmul.f32 $1.600000000e+01, v9  }
0x5c: {  	v2 =	vor.u32 v0, v8;
	v11 =	vmul.f32 $1.600000000e+01, v11;
	v12 =	vld [tilespmem:s30+$0x150];
	v1 =	vtrunc.f32 v1  }
0x5d: {  	v0 =	vor.u32 v4, v14;
	v8 =	vld [tilespmem:s30+$0x160];
	v13 =	vcvt.f32.s32 v1;
	v1 =	vtrunc.f32 v9  }
0x5e: {  	v9 =	vmul.f32 $1.600000000e+01, v19;
	v4 =	vld [tilespmem:s30+$0x180];
	v14 =	vcvt.f32.s32 v1;
	v1 =	vor.u32 v6, v16  }
0x5f: {  	v7 =	vmul.f32 $1.600000000e+01, v7;
	v6 =	vld [tilespmem:s30+$0x190];
	v10 =	vmul.f32 $1.600000000e+01, v10;
	v13 =	vshll.u32 v13, $0x4  }
0x60: {  	v11 =	vtrunc.f32 v11;
	v15 =	vld [tilespmem:s30+$0x1A0];
	v16 =	vmul.f32 $1.600000000e+01, v3;
	v23 =	vor.u32 v14, v13  }
0x61: {  	v24 =	vtrunc.f32 v9;
	v3 =	vor.u32 v5, v18;
	v9 =	vld [tilespmem:s30+$0x1B0];
	v12 =	vmul.f32 $1.600000000e+01, v12  }
0x62: {  	v13 =	vtrunc.f32 v7;
	v25 =	vld [tilespmem:s30+$0x1C0];
	v18 =	vmul.f32 $1.600000000e+01, v8  }
0x63: {  	v14 =	vtrunc.f32 v10;
	v4 =	vmul.f32 $1.600000000e+01, v4;
	v26 =	vld [tilespmem:s30+$0x1D0]  }
.Ltmp0:
0x64: {  	v16 =	vtrunc.f32 v16;
	v5 =	vmul.f32 $1.600000000e+01, v6;
	v19 =	vld [tilespmem:s30+$0x1E0];
	(pc) =	sbr.rel @p0 .LBB2_2-.Ltmp0, $4  }
0x65: {  	v17 =	vtrunc.f32 v12;
	v7 =	vmul.f32 $1.600000000e+01, v15;
	v8 =	vld.idx.msk [tilespmem:v23+s2+$0x0], $0xffff  }
0x66: {  	s26 =	sadd.s32 $0x80, s26;
	v18 =	vtrunc.f32 v18;
	v10 =	vmul.f32 $1.600000000e+01, v9;
	v6 =	vld.idx.msk [tilespmem:v20+s2+$0x0], $0xffff  }
0x67: {  	s0 =	sand.u32 $0x3000, s26;
	s1 =	sshll.u32 s25, $0x2;
	v20 =	vcvt.f32.s32 v11;
	v12 =	vmul.f32 $1.600000000e+01, v25;
	v9 =	vld.idx.msk [tilespmem:v21+s2+$0x0], $0xffff  }
0x68: {  	s28 =	sadd.s32 $0x1, s28;
	s29 =	sor.u32 s29, s0;
	s30 =	sand.u32 $0x380, s1;
	v21 =	vcvt.f32.s32 v24;
	v15 =	vmul.f32 $1.600000000e+01, v26;
	v11 =	vld.idx.msk [tilespmem:v22+s2+$0x0], $0xffff  }
0x69: {  	v13 =	vcvt.f32.s32 v13;
	v19 =	vmul.f32 $1.600000000e+01, v19  }
0x6a: {  	v14 =	vcvt.f32.s32 v14;
	v16 =	vcvt.f32.s32 v16  }
0x6b: {  	v17 =	vcvt.f32.s32 v17;
	v18 =	vcvt.f32.s32 v18  }
0x6c: {  	v4 =	vtrunc.f32 v4;
	v5 =	vtrunc.f32 v5  }
0x6d: {  	v7 =	vtrunc.f32 v7;
	v10 =	vtrunc.f32 v10  }
0x6e: {  	v20 =	vshll.u32 v20, $0x4;
	v12 =	vtrunc.f32 v12;
	v4 =	vcvt.f32.s32 v4  }
0x6f: {  	v21 =	vshll.u32 v21, $0x4;
	v5 =	vcvt.f32.s32 v5;
	v7 =	vcvt.f32.s32 v7  }
0x70: {  	s0 =	sor.u32 s29, s30;
	v10 =	vcvt.f32.s32 v10;
	v12 =	vcvt.f32.s32 v12;
	v4 =	vor.u32 v4, v20  }
0x71: {  	v2 =	vld.idx.msk [tilespmem:v2+s2+$0x0], $0xffff;
	s1 =	sadd.s32 $0x10100, s0;
	v13 =	vshll.u32 v13, $0x4;
	v14 =	vshll.u32 v14, $0x4;
	v5 =	vor.u32 v5, v21  }
0x72: {  	v0 =	vld.idx.msk [tilespmem:v0+s2+$0x0], $0xffff;
	v16 =	vshll.u32 v16, $0x4;
	[tilespmem:s1+$0x70] =	vst v8;
	v8 =	vtrunc.f32 v15;
	v7 =	vor.u32 v7, v13  }
0x73: {  	v1 =	vld.idx.msk [tilespmem:v1+s2+$0x0], $0xffff;
	[tilespmem:s24+$0x10100] =	vst v6;
	v6 =	vtrunc.f32 v19;
	v8 =	vcvt.f32.s32 v8;
	v10 =	vor.u32 v10, v14  }
0x74: {  	v3 =	vld.idx.msk [tilespmem:v3+s2+$0x0], $0xffff;
	[tilespmem:s23+$0x10] =	vst v9;
	v9 =	vshll.u32 v17, $0x4;
	v6 =	vcvt.f32.s32 v6;
	v12 =	vor.u32 v12, v16  }
0x75: {  	[tilespmem:s23+$0x20] =	vst v11;
	v11 =	vshll.u32 v18, $0x4;
	v8 =	vor.u32 v8, v9;
	v4 =	vld.idx.msk [tilespmem:v4+s2+$0x0], $0xffff  }
0x76: {  	[tilespmem:s23+$0x30] =	vst v2;
	v2 =	vor.u32 v6, v11;
	v5 =	vld.idx.msk [tilespmem:v5+s2+$0x0], $0xffff  }
0x77: {  	[tilespmem:s23+$0x40] =	vst v0;
	v0 =	vld.idx.msk [tilespmem:v7+s2+$0x0], $0xffff  }
0x78: {  	[tilespmem:s23+$0x50] =	vst v1;
	v1 =	vld.idx.msk [tilespmem:v10+s2+$0x0], $0xffff  }
0x79: {  	[tilespmem:s23+$0x60] =	vst v3;
	v3 =	vld.idx.msk [tilespmem:v12+s2+$0x0], $0xffff  }
0x7a: {  	v6 =	vld.idx.msk [tilespmem:v8+s2+$0x0], $0xffff;
	[tilespmem:s0+$0x10100] =	vst v4  }
0x7b: {  	v2 =	vld.idx.msk [tilespmem:v2+s2+$0x0], $0xffff;
	[tilespmem:s1+$0x10] =	vst v5  }
0x7c: {  	[tilespmem:s1+$0x20] =	vst v0  }
0x7d: {  	[tilespmem:s1+$0x30] =	vst v1  }
0x7e: {  	[tilespmem:s1+$0x40] =	vst v3  }
0x7f: {  	[tilespmem:s1+$0x50] =	vst v6  }
0x80: {  	s24 =	simm.s32 $0x0;
	[tilespmem:s1+$0x60] =	vst v2  }
0x81: {  	[hbm4b:s6+s24] =	stream.linear.scatter [tilespmem:s17], [sflag:$0x3], $0x4000, $0x38;
	[tilespmem:$0x18100] =	vst v63  }
0x82: {  	s23 =	simm.s32 $0x0  }
0x83: {  	[tilespmem:s13], [sflag:$0x1] =	stream.linear.gather [hbm4b:s7+s24], $0x8000, $0x38;
	[tilespmem:$0x18100] =	vst v63  }
0x84: {  	s25 =	simm.s32 $0x0;
	s23 =	sand.u32 $0xC00, s23;
	_ =	swait.ge [sflag:s18], $0x8000  }
0x85: {  	s26 =	sand.u32 $0x3FFFFC00, s25;
	s31 =	sshrl.u32 s23, $0x2;
	[sflag:s18] =	ssyncset.done $0x0  }
0x86: {  	s0 =	sor.u32 s31, s26;
	[sflag:s18] =	ssyncadd.s32 $0xFFFF8000  }
0x87: {  	v0 =	vld [tilespmem:s0+$0x8170]  }
0x88: {  	v1 =	vld [tilespmem:s0+$0x81F0]  }
0x89: {  	v2 =	vld [tilespmem:s0+$0x8100]  }
0x8a: {  	v3 =	vld [tilespmem:s0+$0x8110]  }
0x8b: {  	v4 =	vld [tilespmem:s0+$0x8120]  }
0x8c: {  	v5 =	vld [tilespmem:s0+$0x8130]  }
0x8d: {  	v6 =	vld [tilespmem:s0+$0x8140]  }
0x8e: {  	v7 =	vld [tilespmem:s0+$0x8150]  }
0x8f: {  	v8 =	vld [tilespmem:s0+$0x8160]  }
0x90: {  	s1 =	simm.s32 $0x400;
	v9 =	vld [tilespmem:s0+$0x8180]  }
0x91: {  	s25 =	simm.s32 $0x100;
	s28 =	sand.u32 $0xC00, s1;
	v10 =	vld [tilespmem:s0+$0x8190]  }
0x92: {  	s26 =	sand.u32 $0x3FFFFC00, s25;
	s31 =	sshrl.u32 s28, $0x2;
	v11 =	vld [tilespmem:s0+$0x81A0];
	v0 =	vmul.f32 $1.600000000e+01, v0  }
0x93: {  	s25 =	sor.u32 s31, s26;
	v12 =	vld [tilespmem:s0+$0x81B0];
	v1 =	vmul.f32 $1.600000000e+01, v1;
	v2 =	vmul.f32 $1.600000000e+01, v2  }
0x94: {  	v18 =	vld [tilespmem:s25+$0x8120];
	v3 =	vmul.f32 $1.600000000e+01, v3;
	v4 =	vmul.f32 $1.600000000e+01, v4  }
0x95: {  	v5 =	vmul.f32 $1.600000000e+01, v5;
	v6 =	vmul.f32 $1.600000000e+01, v6  }
0x96: {  	v7 =	vmul.f32 $1.600000000e+01, v7;
	v8 =	vmul.f32 $1.600000000e+01, v8  }
0x97: {  	v9 =	vmul.f32 $1.600000000e+01, v9;
	v10 =	vmul.f32 $1.600000000e+01, v10  }
0x98: {  	v11 =	vmul.f32 $1.600000000e+01, v11;
	v12 =	vmul.f32 $1.600000000e+01, v12  }
0x99: {  	v18 =	vmul.f32 $1.600000000e+01, v18;
	v0 =	vtrunc.f32 v0  }
0x9a: {  	v1 =	vtrunc.f32 v1;
	v2 =	vtrunc.f32 v2  }
0x9b: {  	v3 =	vtrunc.f32 v3;
	v4 =	vtrunc.f32 v4  }
0x9c: {  	v13 =	vld [tilespmem:s0+$0x81C0];
	v5 =	vtrunc.f32 v5;
	v6 =	vtrunc.f32 v6  }
0x9d: {  	v14 =	vld [tilespmem:s0+$0x81D0];
	v7 =	vtrunc.f32 v7;
	v0 =	vcvt.f32.s32 v0  }
0x9e: {  	v15 =	vld [tilespmem:s0+$0x81E0];
	v8 =	vtrunc.f32 v8;
	v1 =	vcvt.f32.s32 v1  }
0x9f: {  	v3 =	vcvt.f32.s32 v3;
	v4 =	vcvt.f32.s32 v4;
	v0 =	vshll.u32 v0, $0x4  }
0xa0: {  	v5 =	vcvt.f32.s32 v5;
	v6 =	vcvt.f32.s32 v6;
	v0 =	vor.u32 v1, v0  }
0xa1: {  	v7 =	vcvt.f32.s32 v7;
	v1 =	vcvt.f32.s32 v2  }
0xa2: {  	v2 =	vmul.f32 $1.600000000e+01, v13;
	v13 =	vmul.f32 $1.600000000e+01, v14  }
0xa3: {  	v16 =	vld [tilespmem:s25+$0x8100];
	v14 =	vmul.f32 $1.600000000e+01, v15;
	v15 =	vcvt.f32.s32 v8  }
0xa4: {  	v29 =	vld [tilespmem:s25+$0x81B0];
	v8 =	vtrunc.f32 v10;
	v10 =	vtrunc.f32 v11  }
0xa5: {  	v11 =	vtrunc.f32 v12;
	v8 =	vcvt.f32.s32 v8;
	v21 =	vld.idx.msk [tilespmem:v0+s2+$0x0], $0xffff  }
0xa6: {  	v10 =	vcvt.f32.s32 v10;
	v0 =	vtrunc.f32 v9;
	v9 =	vld [tilespmem:s25+$0x8170]  }
0xa7: {  	v12 =	vld [tilespmem:s25+$0x81F0];
	v11 =	vcvt.f32.s32 v11;
	v2 =	vtrunc.f32 v2  }
0xa8: {  	v13 =	vtrunc.f32 v13;
	v14 =	vtrunc.f32 v14  }
0xa9: {  	v17 =	vld [tilespmem:s25+$0x8110];
	v4 =	vshll.u32 v4, $0x4;
	v19 =	vcvt.f32.s32 v2;
	v20 =	vcvt.f32.s32 v13  }
0xaa: {  	v2 =	vshll.u32 v3, $0x4;
	v3 =	vld [tilespmem:s25+$0x8130];
	v22 =	vcvt.f32.s32 v14;
	v14 =	vmul.f32 $1.600000000e+01, v16  }
0xab: {  	v13 =	vld [tilespmem:s25+$0x8140];
	v30 =	vor.u32 v10, v4;
	v10 =	vmul.f32 $1.600000000e+01, v29;
	v9 =	vmul.f32 $1.600000000e+01, v9  }
0xac: {  	v23 =	vld [tilespmem:s25+$0x8160];
	v5 =	vshll.u32 v5, $0x4;
	v12 =	vmul.f32 $1.600000000e+01, v12;
	v25 =	vtrunc.f32 v14  }
0xad: {  	v1 =	vshll.u32 v1, $0x4;
	v16 =	vld [tilespmem:s25+$0x8150];
	v0 =	vcvt.f32.s32 v0;
	v9 =	vtrunc.f32 v9  }
0xae: {  	v27 =	vor.u32 v8, v2;
	v12 =	vtrunc.f32 v12;
	v9 =	vcvt.f32.s32 v9  }
0xaf: {  	v24 =	vor.u32 v0, v1;
	v0 =	vld [tilespmem:s25+$0x8180];
	v1 =	vmul.f32 $1.600000000e+01, v17;
	v12 =	vcvt.f32.s32 v12  }
0xb0: {  	v17 =	vld [tilespmem:s25+$0x8190];
	v3 =	vmul.f32 $1.600000000e+01, v3;
	v26 =	vmul.f32 $1.600000000e+01, v13;
	v9 =	vshll.u32 v9, $0x4  }
0xb1: {  	s24 =	sand.u32 $0x3000, s24;
	s26 =	simm.s32 $0x0;
	v31 =	vld [tilespmem:s25+$0x81C0];
	v13 =	vtrunc.f32 v18;
	v18 =	vmul.f32 $1.600000000e+01, v23;
	v9 =	vor.u32 v12, v9  }
0xb2: {  	s1 =	sand.u32 $0x380, s26;
	s0 =	sor.u32 s23, s24;
	v2 =	vor.u32 v11, v5;
	v11 =	vld [tilespmem:s25+$0x81D0];
	v28 =	vtrunc.f32 v1;
	v1 =	vmul.f32 $1.600000000e+01, v16  }
0xb3: {  	s24 =	sor.u32 s0, s1;
	v6 =	vshll.u32 v6, $0x4;
	v14 =	vtrunc.f32 v3;
	v16 =	vtrunc.f32 v26;
	v12 =	vld [tilespmem:s25+$0x81A0]  }
0xb4: {  	s23 =	sadd.s32 $0x14100, s24;
	v18 =	vtrunc.f32 v18;
	v4 =	vmul.f32 $1.600000000e+01, v0;
	v0 =	vor.u32 v19, v6;
	v19 =	vld [tilespmem:s25+$0x81E0]  }
0xb5: {  	v3 =	vshll.u32 v7, $0x4;
	[tilespmem:s23+$0x70] =	vst v21;
	v21 =	vcvt.f32.s32 v28;
	v5 =	vmul.f32 $1.600000000e+01, v17;
	v6 =	vld.idx.msk [tilespmem:v24+s2+$0x0], $0xffff  }
0xb6: {  	s31 =	simm.s32 $0x20;
	s26 =	simm.s32 $0x80;
	v17 =	vtrunc.f32 v1;
	v1 =	vor.u32 v20, v3;
	v3 =	vshll.u32 v15, $0x4;
	v8 =	vld.idx.msk [tilespmem:v9+s2+$0x0], $0xffff  }
0xb7: {  	s30 =	sand.u32 $0x380, s31;
	s0 =	sand.u32 $0x3000, s26;
	v20 =	vcvt.f32.s32 v25;
	v15 =	vmul.f32 $1.600000000e+01, v11;
	v11 =	vld.idx.msk [tilespmem:v30+s2+$0x0], $0xffff;
	v3 =	vor.u32 v22, v3  }
0xb8: {  	s29 =	sor.u32 s28, s0;
	s28 =	simm.s32 $0x2;
	s25 =	simm.s32 $0x8;
	v7 =	vmul.f32 $1.600000000e+01, v12;
	v12 =	vmul.f32 $1.600000000e+01, v31;
	v9 =	vld.idx.msk [tilespmem:v27+s2+$0x0], $0xffff  }
.LBB2_4:
0xb9: {  	s25 =	sadd.s32 $0x8, s25;
	s0 =	sshll.u32 s28, $0xA;
	v20 =	vshll.u32 v20, $0x4;
	s1 =	sor.u32 s29, s30;
	v13 =	vcvt.f32.s32 v13;
	v19 =	vmul.f32 $1.600000000e+01, v19;
	v2 =	vld.idx.msk [tilespmem:v2+s2+$0x0], $0xffff  }
0xba: {  	v14 =	vcvt.f32.s32 v14;
	v16 =	vcvt.f32.s32 v16;
	s30 =	sshll.u32 s25, $0x5;
	s29 =	sand.u32 $0xC00, s0;
	s0 =	sadd.s32 $0x14100, s1;
	v21 =	vshll.u32 v21, $0x4;
	v0 =	vld.idx.msk [tilespmem:v0+s2+$0x0], $0xffff  }
0xbb: {  	v17 =	vcvt.f32.s32 v17;
	v18 =	vcvt.f32.s32 v18;
	p0 =	slt.u32 s25, $0x3F8;
	s30 =	sand.u32 $0x3FFFFC00, s30;
	s31 =	sshrl.u32 s29, $0x2;
	v13 =	vshll.u32 v13, $0x4;
	[tilespmem:s0+$0x70] =	vst v8;
	v1 =	vld.idx.msk [tilespmem:v1+s2+$0x0], $0xffff  }
0xbc: {  	v4 =	vtrunc.f32 v4;
	v5 =	vtrunc.f32 v5;
	v8 =	vshll.u32 v14, $0x4;
	s30 =	sor.u32 s31, s30;
	[tilespmem:s24+$0x14100] =	vst v6;
	v3 =	vld.idx.msk [tilespmem:v3+s2+$0x0], $0xffff;
	s24 =	smov.u32 s1  }
0xbd: {  	v7 =	vtrunc.f32 v7;
	v10 =	vtrunc.f32 v10;
	v14 =	vshll.u32 v16, $0x4;
	v6 =	vld [tilespmem:s30+$0x8170];
	[tilespmem:s23+$0x10] =	vst v9  }
0xbe: {  	v12 =	vtrunc.f32 v12;
	v15 =	vtrunc.f32 v15;
	v16 =	vshll.u32 v17, $0x4;
	v9 =	vld [tilespmem:s30+$0x81F0];
	[tilespmem:s23+$0x20] =	vst v11  }
0xbf: {  	v4 =	vcvt.f32.s32 v4;
	v17 =	vtrunc.f32 v19;
	v18 =	vshll.u32 v18, $0x4;
	v11 =	vld [tilespmem:s30+$0x8100];
	[tilespmem:s23+$0x30] =	vst v2  }
0xc0: {  	v2 =	vcvt.f32.s32 v5;
	v5 =	vcvt.f32.s32 v7;
	v19 =	vld [tilespmem:s30+$0x8110];
	[tilespmem:s23+$0x40] =	vst v0  }
0xc1: {  	v20 =	vor.u32 v4, v20;
	v4 =	vcvt.f32.s32 v12;
	v0 =	vcvt.f32.s32 v10;
	v7 =	vld [tilespmem:s30+$0x8120];
	[tilespmem:s23+$0x50] =	vst v1  }
0xc2: {  	v21 =	vor.u32 v2, v21;
	v10 =	vld [tilespmem:s30+$0x8130];
	v1 =	vmul.f32 $1.600000000e+01, v6;
	v6 =	vcvt.f32.s32 v15;
	[tilespmem:s23+$0x60] =	vst v3;
	s23 =	smov.u32 s0  }
0xc3: {  	v22 =	vor.u32 v5, v13;
	v5 =	vcvt.f32.s32 v17;
	v3 =	vld [tilespmem:s30+$0x8140];
	v9 =	vmul.f32 $1.600000000e+01, v9  }
0xc4: {  	v2 =	vor.u32 v0, v8;
	v11 =	vmul.f32 $1.600000000e+01, v11;
	v12 =	vld [tilespmem:s30+$0x8150];
	v1 =	vtrunc.f32 v1  }
0xc5: {  	v0 =	vor.u32 v4, v14;
	v8 =	vld [tilespmem:s30+$0x8160];
	v13 =	vcvt.f32.s32 v1;
	v1 =	vtrunc.f32 v9  }
0xc6: {  	v9 =	vmul.f32 $1.600000000e+01, v19;
	v4 =	vld [tilespmem:s30+$0x8180];
	v14 =	vcvt.f32.s32 v1;
	v1 =	vor.u32 v6, v16  }
0xc7: {  	v7 =	vmul.f32 $1.600000000e+01, v7;
	v6 =	vld [tilespmem:s30+$0x8190];
	v10 =	vmul.f32 $1.600000000e+01, v10;
	v13 =	vshll.u32 v13, $0x4  }
0xc8: {  	v11 =	vtrunc.f32 v11;
	v15 =	vld [tilespmem:s30+$0x81A0];
	v16 =	vmul.f32 $1.600000000e+01, v3;
	v23 =	vor.u32 v14, v13  }
0xc9: {  	v24 =	vtrunc.f32 v9;
	v3 =	vor.u32 v5, v18;
	v9 =	vld [tilespmem:s30+$0x81B0];
	v12 =	vmul.f32 $1.600000000e+01, v12  }
0xca: {  	v13 =	vtrunc.f32 v7;
	v25 =	vld [tilespmem:s30+$0x81C0];
	v18 =	vmul.f32 $1.600000000e+01, v8  }
0xcb: {  	v14 =	vtrunc.f32 v10;
	v4 =	vmul.f32 $1.600000000e+01, v4;
	v26 =	vld [tilespmem:s30+$0x81D0]  }
.Ltmp1:
0xcc: {  	v16 =	vtrunc.f32 v16;
	v5 =	vmul.f32 $1.600000000e+01, v6;
	v19 =	vld [tilespmem:s30+$0x81E0];
	(pc) =	sbr.rel @p0 .LBB2_4-.Ltmp1, $4  }
0xcd: {  	v17 =	vtrunc.f32 v12;
	v7 =	vmul.f32 $1.600000000e+01, v15;
	v8 =	vld.idx.msk [tilespmem:v23+s2+$0x0], $0xffff  }
0xce: {  	s26 =	sadd.s32 $0x80, s26;
	v18 =	vtrunc.f32 v18;
	v10 =	vmul.f32 $1.600000000e+01, v9;
	v6 =	vld.idx.msk [tilespmem:v20+s2+$0x0], $0xffff  }
0xcf: {  	s1 =	sshll.u32 s25, $0x2;
	s0 =	sand.u32 $0x3000, s26;
	v20 =	vcvt.f32.s32 v11;
	v12 =	vmul.f32 $1.600000000e+01, v25;
	v9 =	vld.idx.msk [tilespmem:v21+s2+$0x0], $0xffff  }
0xd0: {  	s28 =	sadd.s32 $0x1, s28;
	s29 =	sor.u32 s29, s0;
	s30 =	sand.u32 $0x380, s1;
	v21 =	vcvt.f32.s32 v24;
	v15 =	vmul.f32 $1.600000000e+01, v26;
	v11 =	vld.idx.msk [tilespmem:v22+s2+$0x0], $0xffff  }
0xd1: {  	v13 =	vcvt.f32.s32 v13;
	v19 =	vmul.f32 $1.600000000e+01, v19  }
0xd2: {  	v14 =	vcvt.f32.s32 v14;
	v16 =	vcvt.f32.s32 v16  }
0xd3: {  	v17 =	vcvt.f32.s32 v17;
	v18 =	vcvt.f32.s32 v18  }
0xd4: {  	v4 =	vtrunc.f32 v4;
	v5 =	vtrunc.f32 v5  }
0xd5: {  	v7 =	vtrunc.f32 v7;
	v10 =	vtrunc.f32 v10  }
0xd6: {  	v20 =	vshll.u32 v20, $0x4;
	v12 =	vtrunc.f32 v12;
	v4 =	vcvt.f32.s32 v4  }
0xd7: {  	v21 =	vshll.u32 v21, $0x4;
	v5 =	vcvt.f32.s32 v5;
	v7 =	vcvt.f32.s32 v7  }
0xd8: {  	s0 =	sor.u32 s29, s30;
	v10 =	vcvt.f32.s32 v10;
	v12 =	vcvt.f32.s32 v12;
	v4 =	vor.u32 v4, v20  }
0xd9: {  	v2 =	vld.idx.msk [tilespmem:v2+s2+$0x0], $0xffff;
	s1 =	sadd.s32 $0x14100, s0;
	v13 =	vshll.u32 v13, $0x4;
	v14 =	vshll.u32 v14, $0x4;
	v5 =	vor.u32 v5, v21  }
0xda: {  	v0 =	vld.idx.msk [tilespmem:v0+s2+$0x0], $0xffff;
	v16 =	vshll.u32 v16, $0x4;
	[tilespmem:s1+$0x70] =	vst v8;
	v8 =	vtrunc.f32 v15;
	v7 =	vor.u32 v7, v13  }
0xdb: {  	v1 =	vld.idx.msk [tilespmem:v1+s2+$0x0], $0xffff;
	[tilespmem:s24+$0x14100] =	vst v6;
	v6 =	vtrunc.f32 v19;
	v8 =	vcvt.f32.s32 v8;
	v10 =	vor.u32 v10, v14  }
0xdc: {  	v3 =	vld.idx.msk [tilespmem:v3+s2+$0x0], $0xffff;
	[tilespmem:s23+$0x10] =	vst v9;
	v9 =	vshll.u32 v17, $0x4;
	v6 =	vcvt.f32.s32 v6;
	v12 =	vor.u32 v12, v16  }
0xdd: {  	[tilespmem:s23+$0x20] =	vst v11;
	v11 =	vshll.u32 v18, $0x4;
	v8 =	vor.u32 v8, v9;
	v4 =	vld.idx.msk [tilespmem:v4+s2+$0x0], $0xffff  }
0xde: {  	[tilespmem:s23+$0x30] =	vst v2;
	v2 =	vor.u32 v6, v11;
	v5 =	vld.idx.msk [tilespmem:v5+s2+$0x0], $0xffff  }
0xdf: {  	[tilespmem:s23+$0x40] =	vst v0;
	v0 =	vld.idx.msk [tilespmem:v7+s2+$0x0], $0xffff  }
0xe0: {  	[tilespmem:s23+$0x50] =	vst v1;
	v1 =	vld.idx.msk [tilespmem:v10+s2+$0x0], $0xffff  }
0xe1: {  	[tilespmem:s23+$0x60] =	vst v3;
	v3 =	vld.idx.msk [tilespmem:v12+s2+$0x0], $0xffff  }
0xe2: {  	v6 =	vld.idx.msk [tilespmem:v8+s2+$0x0], $0xffff;
	[tilespmem:s0+$0x14100] =	vst v4  }
0xe3: {  	v2 =	vld.idx.msk [tilespmem:v2+s2+$0x0], $0xffff;
	[tilespmem:s1+$0x10] =	vst v5  }
0xe4: {  	[tilespmem:s1+$0x20] =	vst v0  }
0xe5: {  	[tilespmem:s1+$0x30] =	vst v1  }
0xe6: {  	[tilespmem:s1+$0x40] =	vst v3  }
0xe7: {  	[tilespmem:s1+$0x50] =	vst v6  }
0xe8: {  	s23 =	simm.s32 $0x0;
	[tilespmem:s1+$0x60] =	vst v2  }
0xe9: {  	[hbm4b:s8+s23] =	stream.linear.scatter [tilespmem:s19], [sflag:$0x4], $0x4000, $0x38;
	[tilespmem:$0x18100] =	vst v63  }
0xea: {  	_ = 	snop  }
0xeb: {  	[tilespmem:s15], [sflag:$0x2] =	stream.linear.gather [hbm4b:s9+s23], $0x8000, $0x38;
	[tilespmem:$0x18100] =	vst v63  }
0xec: {  	_ =	swait.ge [sflag:s16], $0x8000  }
0xed: {  	[sflag:s16] =	ssyncset.done $0x0  }
0xee: {  	s24 =	simm.s32 $0x0;
	[sflag:s16] =	ssyncadd.s32 $0xFFFF8000  }
0xef: {  	s25 =	simm.s32 $0x0;
	s24 =	sand.u32 $0xC00, s24;
	_ =	swait.ge [sflag:s20], $0x4000  }
0xf0: {  	s26 =	sand.u32 $0x3FFFFC00, s25;
	s31 =	sshrl.u32 s24, $0x2;
	[sflag:s20] =	ssyncset.done $0x0  }
0xf1: {  	s0 =	sor.u32 s31, s26;
	[sflag:s20] =	ssyncadd.s32 $0xFFFFC000  }
0xf2: {  	v0 =	vld [tilespmem:s0+$0x170]  }
0xf3: {  	v1 =	vld [tilespmem:s0+$0x1F0]  }
0xf4: {  	v2 =	vld [tilespmem:s0+$0x100]  }
0xf5: {  	v3 =	vld [tilespmem:s0+$0x110]  }
0xf6: {  	v4 =	vld [tilespmem:s0+$0x120]  }
0xf7: {  	v5 =	vld [tilespmem:s0+$0x130]  }
0xf8: {  	v6 =	vld [tilespmem:s0+$0x140]  }
0xf9: {  	v7 =	vld [tilespmem:s0+$0x150]  }
0xfa: {  	v8 =	vld [tilespmem:s0+$0x160]  }
0xfb: {  	s1 =	simm.s32 $0x400;
	v9 =	vld [tilespmem:s0+$0x180]  }
0xfc: {  	s25 =	simm.s32 $0x100;
	s28 =	sand.u32 $0xC00, s1;
	v10 =	vld [tilespmem:s0+$0x190]  }
0xfd: {  	s26 =	sand.u32 $0x3FFFFC00, s25;
	s31 =	sshrl.u32 s28, $0x2;
	v11 =	vld [tilespmem:s0+$0x1A0];
	v0 =	vmul.f32 $1.600000000e+01, v0  }
0xfe: {  	s25 =	sor.u32 s31, s26;
	v12 =	vld [tilespmem:s0+$0x1B0];
	v1 =	vmul.f32 $1.600000000e+01, v1;
	v2 =	vmul.f32 $1.600000000e+01, v2  }
0xff: {  	v18 =	vld [tilespmem:s25+$0x120];
	v3 =	vmul.f32 $1.600000000e+01, v3;
	v4 =	vmul.f32 $1.600000000e+01, v4  }
0x100: {  	v5 =	vmul.f32 $1.600000000e+01, v5;
	v6 =	vmul.f32 $1.600000000e+01, v6  }
0x101: {  	v7 =	vmul.f32 $1.600000000e+01, v7;
	v8 =	vmul.f32 $1.600000000e+01, v8  }
0x102: {  	v9 =	vmul.f32 $1.600000000e+01, v9;
	v10 =	vmul.f32 $1.600000000e+01, v10  }
0x103: {  	v11 =	vmul.f32 $1.600000000e+01, v11;
	v12 =	vmul.f32 $1.600000000e+01, v12  }
0x104: {  	v18 =	vmul.f32 $1.600000000e+01, v18;
	v0 =	vtrunc.f32 v0  }
0x105: {  	v1 =	vtrunc.f32 v1;
	v2 =	vtrunc.f32 v2  }
0x106: {  	v3 =	vtrunc.f32 v3;
	v4 =	vtrunc.f32 v4  }
0x107: {  	v13 =	vld [tilespmem:s0+$0x1C0];
	v5 =	vtrunc.f32 v5;
	v6 =	vtrunc.f32 v6  }
0x108: {  	v14 =	vld [tilespmem:s0+$0x1D0];
	v7 =	vtrunc.f32 v7;
	v0 =	vcvt.f32.s32 v0  }
0x109: {  	v15 =	vld [tilespmem:s0+$0x1E0];
	v8 =	vtrunc.f32 v8;
	v1 =	vcvt.f32.s32 v1  }
0x10a: {  	v3 =	vcvt.f32.s32 v3;
	v4 =	vcvt.f32.s32 v4;
	v0 =	vshll.u32 v0, $0x4  }
0x10b: {  	v5 =	vcvt.f32.s32 v5;
	v6 =	vcvt.f32.s32 v6;
	v0 =	vor.u32 v1, v0  }
0x10c: {  	v7 =	vcvt.f32.s32 v7;
	v1 =	vcvt.f32.s32 v2  }
0x10d: {  	v2 =	vmul.f32 $1.600000000e+01, v13;
	v13 =	vmul.f32 $1.600000000e+01, v14  }
0x10e: {  	v16 =	vld [tilespmem:s25+$0x100];
	v14 =	vmul.f32 $1.600000000e+01, v15;
	v15 =	vcvt.f32.s32 v8  }
0x10f: {  	v29 =	vld [tilespmem:s25+$0x1B0];
	v8 =	vtrunc.f32 v10;
	v10 =	vtrunc.f32 v11  }
0x110: {  	v11 =	vtrunc.f32 v12;
	v8 =	vcvt.f32.s32 v8;
	v21 =	vld.idx.msk [tilespmem:v0+s2+$0x0], $0xffff  }
0x111: {  	v10 =	vcvt.f32.s32 v10;
	v0 =	vtrunc.f32 v9;
	v9 =	vld [tilespmem:s25+$0x170]  }
0x112: {  	v12 =	vld [tilespmem:s25+$0x1F0];
	v11 =	vcvt.f32.s32 v11;
	v2 =	vtrunc.f32 v2  }
0x113: {  	v13 =	vtrunc.f32 v13;
	v14 =	vtrunc.f32 v14  }
0x114: {  	v17 =	vld [tilespmem:s25+$0x110];
	v4 =	vshll.u32 v4, $0x4;
	v19 =	vcvt.f32.s32 v2;
	v20 =	vcvt.f32.s32 v13  }
0x115: {  	v2 =	vshll.u32 v3, $0x4;
	v3 =	vld [tilespmem:s25+$0x130];
	v22 =	vcvt.f32.s32 v14;
	v14 =	vmul.f32 $1.600000000e+01, v16  }
0x116: {  	v13 =	vld [tilespmem:s25+$0x140];
	v30 =	vor.u32 v10, v4;
	v10 =	vmul.f32 $1.600000000e+01, v29;
	v9 =	vmul.f32 $1.600000000e+01, v9  }
0x117: {  	v23 =	vld [tilespmem:s25+$0x160];
	v5 =	vshll.u32 v5, $0x4;
	v12 =	vmul.f32 $1.600000000e+01, v12;
	v25 =	vtrunc.f32 v14  }
0x118: {  	v1 =	vshll.u32 v1, $0x4;
	v16 =	vld [tilespmem:s25+$0x150];
	v0 =	vcvt.f32.s32 v0;
	v9 =	vtrunc.f32 v9  }
0x119: {  	v27 =	vor.u32 v8, v2;
	v12 =	vtrunc.f32 v12;
	v9 =	vcvt.f32.s32 v9  }
0x11a: {  	v24 =	vor.u32 v0, v1;
	v0 =	vld [tilespmem:s25+$0x180];
	v1 =	vmul.f32 $1.600000000e+01, v17;
	v12 =	vcvt.f32.s32 v12  }
0x11b: {  	v17 =	vld [tilespmem:s25+$0x190];
	v3 =	vmul.f32 $1.600000000e+01, v3;
	v26 =	vmul.f32 $1.600000000e+01, v13;
	v9 =	vshll.u32 v9, $0x4  }
0x11c: {  	s23 =	sand.u32 $0x3000, s23;
	s26 =	simm.s32 $0x0;
	v31 =	vld [tilespmem:s25+$0x1C0];
	v13 =	vtrunc.f32 v18;
	v18 =	vmul.f32 $1.600000000e+01, v23;
	v9 =	vor.u32 v12, v9  }
0x11d: {  	s1 =	sand.u32 $0x380, s26;
	s0 =	sor.u32 s24, s23;
	v2 =	vor.u32 v11, v5;
	v11 =	vld [tilespmem:s25+$0x1D0];
	v28 =	vtrunc.f32 v1;
	v1 =	vmul.f32 $1.600000000e+01, v16  }
0x11e: {  	s24 =	sor.u32 s0, s1;
	v6 =	vshll.u32 v6, $0x4;
	v14 =	vtrunc.f32 v3;
	v16 =	vtrunc.f32 v26;
	v12 =	vld [tilespmem:s25+$0x1A0]  }
0x11f: {  	s23 =	sadd.s32 $0x10100, s24;
	v18 =	vtrunc.f32 v18;
	v4 =	vmul.f32 $1.600000000e+01, v0;
	v0 =	vor.u32 v19, v6;
	v19 =	vld [tilespmem:s25+$0x1E0]  }
0x120: {  	v3 =	vshll.u32 v7, $0x4;
	[tilespmem:s23+$0x70] =	vst v21;
	v21 =	vcvt.f32.s32 v28;
	v5 =	vmul.f32 $1.600000000e+01, v17;
	v6 =	vld.idx.msk [tilespmem:v24+s2+$0x0], $0xffff  }
0x121: {  	s31 =	simm.s32 $0x20;
	s26 =	simm.s32 $0x80;
	v17 =	vtrunc.f32 v1;
	v1 =	vor.u32 v20, v3;
	v3 =	vshll.u32 v15, $0x4;
	v8 =	vld.idx.msk [tilespmem:v9+s2+$0x0], $0xffff  }
0x122: {  	s30 =	sand.u32 $0x380, s31;
	s0 =	sand.u32 $0x3000, s26;
	v20 =	vcvt.f32.s32 v25;
	v15 =	vmul.f32 $1.600000000e+01, v11;
	v11 =	vld.idx.msk [tilespmem:v30+s2+$0x0], $0xffff;
	v3 =	vor.u32 v22, v3  }
0x123: {  	s29 =	sor.u32 s28, s0;
	s28 =	simm.s32 $0x2;
	s25 =	simm.s32 $0x8;
	v7 =	vmul.f32 $1.600000000e+01, v12;
	v12 =	vmul.f32 $1.600000000e+01, v31;
	v9 =	vld.idx.msk [tilespmem:v27+s2+$0x0], $0xffff  }
.LBB2_6:
0x124: {  	s25 =	sadd.s32 $0x8, s25;
	s0 =	sshll.u32 s28, $0xA;
	v20 =	vshll.u32 v20, $0x4;
	s1 =	sor.u32 s29, s30;
	v13 =	vcvt.f32.s32 v13;
	v19 =	vmul.f32 $1.600000000e+01, v19;
	v2 =	vld.idx.msk [tilespmem:v2+s2+$0x0], $0xffff  }
0x125: {  	v14 =	vcvt.f32.s32 v14;
	v16 =	vcvt.f32.s32 v16;
	s30 =	sshll.u32 s25, $0x5;
	s29 =	sand.u32 $0xC00, s0;
	s0 =	sadd.s32 $0x10100, s1;
	v21 =	vshll.u32 v21, $0x4;
	v0 =	vld.idx.msk [tilespmem:v0+s2+$0x0], $0xffff  }
0x126: {  	v17 =	vcvt.f32.s32 v17;
	v18 =	vcvt.f32.s32 v18;
	p0 =	slt.u32 s25, $0x3F8;
	s30 =	sand.u32 $0x3FFFFC00, s30;
	s31 =	sshrl.u32 s29, $0x2;
	v13 =	vshll.u32 v13, $0x4;
	[tilespmem:s0+$0x70] =	vst v8;
	v1 =	vld.idx.msk [tilespmem:v1+s2+$0x0], $0xffff  }
0x127: {  	v4 =	vtrunc.f32 v4;
	v5 =	vtrunc.f32 v5;
	v8 =	vshll.u32 v14, $0x4;
	s30 =	sor.u32 s31, s30;
	[tilespmem:s24+$0x10100] =	vst v6;
	v3 =	vld.idx.msk [tilespmem:v3+s2+$0x0], $0xffff;
	s24 =	smov.u32 s1  }
0x128: {  	v7 =	vtrunc.f32 v7;
	v10 =	vtrunc.f32 v10;
	v14 =	vshll.u32 v16, $0x4;
	v6 =	vld [tilespmem:s30+$0x170];
	[tilespmem:s23+$0x10] =	vst v9  }
0x129: {  	v12 =	vtrunc.f32 v12;
	v15 =	vtrunc.f32 v15;
	v16 =	vshll.u32 v17, $0x4;
	v9 =	vld [tilespmem:s30+$0x1F0];
	[tilespmem:s23+$0x20] =	vst v11  }
0x12a: {  	v4 =	vcvt.f32.s32 v4;
	v17 =	vtrunc.f32 v19;
	v18 =	vshll.u32 v18, $0x4;
	v11 =	vld [tilespmem:s30+$0x100];
	[tilespmem:s23+$0x30] =	vst v2  }
0x12b: {  	v2 =	vcvt.f32.s32 v5;
	v5 =	vcvt.f32.s32 v7;
	v19 =	vld [tilespmem:s30+$0x110];
	[tilespmem:s23+$0x40] =	vst v0  }
0x12c: {  	v20 =	vor.u32 v4, v20;
	v4 =	vcvt.f32.s32 v12;
	v0 =	vcvt.f32.s32 v10;
	v7 =	vld [tilespmem:s30+$0x120];
	[tilespmem:s23+$0x50] =	vst v1  }
0x12d: {  	v21 =	vor.u32 v2, v21;
	v10 =	vld [tilespmem:s30+$0x130];
	v1 =	vmul.f32 $1.600000000e+01, v6;
	v6 =	vcvt.f32.s32 v15;
	[tilespmem:s23+$0x60] =	vst v3;
	s23 =	smov.u32 s0  }
0x12e: {  	v22 =	vor.u32 v5, v13;
	v5 =	vcvt.f32.s32 v17;
	v3 =	vld [tilespmem:s30+$0x140];
	v9 =	vmul.f32 $1.600000000e+01, v9  }
0x12f: {  	v2 =	vor.u32 v0, v8;
	v11 =	vmul.f32 $1.600000000e+01, v11;
	v12 =	vld [tilespmem:s30+$0x150];
	v1 =	vtrunc.f32 v1  }
0x130: {  	v0 =	vor.u32 v4, v14;
	v8 =	vld [tilespmem:s30+$0x160];
	v13 =	vcvt.f32.s32 v1;
	v1 =	vtrunc.f32 v9  }
0x131: {  	v9 =	vmul.f32 $1.600000000e+01, v19;
	v4 =	vld [tilespmem:s30+$0x180];
	v14 =	vcvt.f32.s32 v1;
	v1 =	vor.u32 v6, v16  }
0x132: {  	v7 =	vmul.f32 $1.600000000e+01, v7;
	v6 =	vld [tilespmem:s30+$0x190];
	v10 =	vmul.f32 $1.600000000e+01, v10;
	v13 =	vshll.u32 v13, $0x4  }
0x133: {  	v11 =	vtrunc.f32 v11;
	v15 =	vld [tilespmem:s30+$0x1A0];
	v16 =	vmul.f32 $1.600000000e+01, v3;
	v23 =	vor.u32 v14, v13  }
0x134: {  	v24 =	vtrunc.f32 v9;
	v3 =	vor.u32 v5, v18;
	v9 =	vld [tilespmem:s30+$0x1B0];
	v12 =	vmul.f32 $1.600000000e+01, v12  }
0x135: {  	v13 =	vtrunc.f32 v7;
	v25 =	vld [tilespmem:s30+$0x1C0];
	v18 =	vmul.f32 $1.600000000e+01, v8  }
0x136: {  	v14 =	vtrunc.f32 v10;
	v4 =	vmul.f32 $1.600000000e+01, v4;
	v26 =	vld [tilespmem:s30+$0x1D0]  }
.Ltmp2:
0x137: {  	v16 =	vtrunc.f32 v16;
	v5 =	vmul.f32 $1.600000000e+01, v6;
	v19 =	vld [tilespmem:s30+$0x1E0];
	(pc) =	sbr.rel @p0 .LBB2_6-.Ltmp2, $4  }
0x138: {  	v17 =	vtrunc.f32 v12;
	v7 =	vmul.f32 $1.600000000e+01, v15;
	v8 =	vld.idx.msk [tilespmem:v23+s2+$0x0], $0xffff  }
0x139: {  	s26 =	sadd.s32 $0x80, s26;
	v18 =	vtrunc.f32 v18;
	v10 =	vmul.f32 $1.600000000e+01, v9;
	v6 =	vld.idx.msk [tilespmem:v20+s2+$0x0], $0xffff  }
0x13a: {  	s1 =	sshll.u32 s25, $0x2;
	s0 =	sand.u32 $0x3000, s26;
	v20 =	vcvt.f32.s32 v11;
	v12 =	vmul.f32 $1.600000000e+01, v25;
	v9 =	vld.idx.msk [tilespmem:v21+s2+$0x0], $0xffff  }
0x13b: {  	s28 =	sadd.s32 $0x1, s28;
	s29 =	sor.u32 s29, s0;
	s30 =	sand.u32 $0x380, s1;
	v21 =	vcvt.f32.s32 v24;
	v15 =	vmul.f32 $1.600000000e+01, v26;
	v11 =	vld.idx.msk [tilespmem:v22+s2+$0x0], $0xffff  }
0x13c: {  	v13 =	vcvt.f32.s32 v13;
	v19 =	vmul.f32 $1.600000000e+01, v19  }
0x13d: {  	v14 =	vcvt.f32.s32 v14;
	v16 =	vcvt.f32.s32 v16  }
0x13e: {  	v17 =	vcvt.f32.s32 v17;
	v18 =	vcvt.f32.s32 v18  }
0x13f: {  	v4 =	vtrunc.f32 v4;
	v5 =	vtrunc.f32 v5  }
0x140: {  	v7 =	vtrunc.f32 v7;
	v10 =	vtrunc.f32 v10  }
0x141: {  	v20 =	vshll.u32 v20, $0x4;
	v12 =	vtrunc.f32 v12;
	v4 =	vcvt.f32.s32 v4  }
0x142: {  	v21 =	vshll.u32 v21, $0x4;
	v5 =	vcvt.f32.s32 v5;
	v7 =	vcvt.f32.s32 v7  }
0x143: {  	s0 =	sor.u32 s29, s30;
	v10 =	vcvt.f32.s32 v10;
	v12 =	vcvt.f32.s32 v12;
	v4 =	vor.u32 v4, v20  }
0x144: {  	v2 =	vld.idx.msk [tilespmem:v2+s2+$0x0], $0xffff;
	s1 =	sadd.s32 $0x10100, s0;
	v13 =	vshll.u32 v13, $0x4;
	v14 =	vshll.u32 v14, $0x4;
	v5 =	vor.u32 v5, v21  }
0x145: {  	v0 =	vld.idx.msk [tilespmem:v0+s2+$0x0], $0xffff;
	v16 =	vshll.u32 v16, $0x4;
	[tilespmem:s1+$0x70] =	vst v8;
	v8 =	vtrunc.f32 v15;
	v7 =	vor.u32 v7, v13  }
0x146: {  	v1 =	vld.idx.msk [tilespmem:v1+s2+$0x0], $0xffff;
	[tilespmem:s24+$0x10100] =	vst v6;
	v6 =	vtrunc.f32 v19;
	v8 =	vcvt.f32.s32 v8;
	v10 =	vor.u32 v10, v14  }
0x147: {  	v3 =	vld.idx.msk [tilespmem:v3+s2+$0x0], $0xffff;
	[tilespmem:s23+$0x10] =	vst v9;
	v9 =	vshll.u32 v17, $0x4;
	v6 =	vcvt.f32.s32 v6;
	v12 =	vor.u32 v12, v16  }
0x148: {  	[tilespmem:s23+$0x20] =	vst v11;
	v11 =	vshll.u32 v18, $0x4;
	v8 =	vor.u32 v8, v9;
	v4 =	vld.idx.msk [tilespmem:v4+s2+$0x0], $0xffff  }
0x149: {  	[tilespmem:s23+$0x30] =	vst v2;
	v2 =	vor.u32 v6, v11;
	v5 =	vld.idx.msk [tilespmem:v5+s2+$0x0], $0xffff  }
0x14a: {  	[tilespmem:s23+$0x40] =	vst v0;
	v0 =	vld.idx.msk [tilespmem:v7+s2+$0x0], $0xffff  }
0x14b: {  	[tilespmem:s23+$0x50] =	vst v1;
	v1 =	vld.idx.msk [tilespmem:v10+s2+$0x0], $0xffff  }
0x14c: {  	[tilespmem:s23+$0x60] =	vst v3;
	v3 =	vld.idx.msk [tilespmem:v12+s2+$0x0], $0xffff  }
0x14d: {  	v6 =	vld.idx.msk [tilespmem:v8+s2+$0x0], $0xffff;
	[tilespmem:s0+$0x10100] =	vst v4  }
0x14e: {  	v2 =	vld.idx.msk [tilespmem:v2+s2+$0x0], $0xffff;
	[tilespmem:s1+$0x10] =	vst v5  }
0x14f: {  	[tilespmem:s1+$0x20] =	vst v0  }
0x150: {  	[tilespmem:s1+$0x30] =	vst v1  }
0x151: {  	[tilespmem:s1+$0x40] =	vst v3  }
0x152: {  	[tilespmem:s1+$0x50] =	vst v6  }
0x153: {  	s23 =	simm.s32 $0x0;
	[tilespmem:s1+$0x60] =	vst v2  }
0x154: {  	[hbm4b:s10+s23] =	stream.linear.scatter [tilespmem:s17], [sflag:$0x3], $0x4000, $0x38;
	[tilespmem:$0x18100] =	vst v63  }
0x155: {  	_ =	swait.ge [sflag:s18], $0x8000  }
0x156: {  	[sflag:s18] =	ssyncset.done $0x0  }
0x157: {  	s24 =	simm.s32 $0x0;
	[sflag:s18] =	ssyncadd.s32 $0xFFFF8000  }
0x158: {  	s25 =	simm.s32 $0x0;
	s24 =	sand.u32 $0xC00, s24;
	_ =	swait.ge [sflag:s21], $0x4000  }
0x159: {  	s26 =	sand.u32 $0x3FFFFC00, s25;
	s31 =	sshrl.u32 s24, $0x2;
	[sflag:s21] =	ssyncset.done $0x0  }
0x15a: {  	s0 =	sor.u32 s31, s26;
	[sflag:s21] =	ssyncadd.s32 $0xFFFFC000  }
0x15b: {  	v0 =	vld [tilespmem:s0+$0x8170]  }
0x15c: {  	v1 =	vld [tilespmem:s0+$0x81F0]  }
0x15d: {  	v2 =	vld [tilespmem:s0+$0x8100]  }
0x15e: {  	v3 =	vld [tilespmem:s0+$0x8110]  }
0x15f: {  	v4 =	vld [tilespmem:s0+$0x8120]  }
0x160: {  	v5 =	vld [tilespmem:s0+$0x8130]  }
0x161: {  	v6 =	vld [tilespmem:s0+$0x8140]  }
0x162: {  	v7 =	vld [tilespmem:s0+$0x8150]  }
0x163: {  	v8 =	vld [tilespmem:s0+$0x8160]  }
0x164: {  	s1 =	simm.s32 $0x400;
	v9 =	vld [tilespmem:s0+$0x8180]  }
0x165: {  	s25 =	simm.s32 $0x100;
	s28 =	sand.u32 $0xC00, s1;
	v10 =	vld [tilespmem:s0+$0x8190]  }
0x166: {  	s26 =	sand.u32 $0x3FFFFC00, s25;
	s31 =	sshrl.u32 s28, $0x2;
	v11 =	vld [tilespmem:s0+$0x81A0];
	v0 =	vmul.f32 $1.600000000e+01, v0  }
0x167: {  	s25 =	sor.u32 s31, s26;
	v12 =	vld [tilespmem:s0+$0x81B0];
	v1 =	vmul.f32 $1.600000000e+01, v1;
	v2 =	vmul.f32 $1.600000000e+01, v2  }
0x168: {  	v18 =	vld [tilespmem:s25+$0x8120];
	v3 =	vmul.f32 $1.600000000e+01, v3;
	v4 =	vmul.f32 $1.600000000e+01, v4  }
0x169: {  	v5 =	vmul.f32 $1.600000000e+01, v5;
	v6 =	vmul.f32 $1.600000000e+01, v6  }
0x16a: {  	v7 =	vmul.f32 $1.600000000e+01, v7;
	v8 =	vmul.f32 $1.600000000e+01, v8  }
0x16b: {  	v9 =	vmul.f32 $1.600000000e+01, v9;
	v10 =	vmul.f32 $1.600000000e+01, v10  }
0x16c: {  	v11 =	vmul.f32 $1.600000000e+01, v11;
	v12 =	vmul.f32 $1.600000000e+01, v12  }
0x16d: {  	v18 =	vmul.f32 $1.600000000e+01, v18;
	v0 =	vtrunc.f32 v0  }
0x16e: {  	v1 =	vtrunc.f32 v1;
	v2 =	vtrunc.f32 v2  }
0x16f: {  	v3 =	vtrunc.f32 v3;
	v4 =	vtrunc.f32 v4  }
0x170: {  	v13 =	vld [tilespmem:s0+$0x81C0];
	v5 =	vtrunc.f32 v5;
	v6 =	vtrunc.f32 v6  }
0x171: {  	v14 =	vld [tilespmem:s0+$0x81D0];
	v7 =	vtrunc.f32 v7;
	v0 =	vcvt.f32.s32 v0  }
0x172: {  	v15 =	vld [tilespmem:s0+$0x81E0];
	v8 =	vtrunc.f32 v8;
	v1 =	vcvt.f32.s32 v1  }
0x173: {  	v3 =	vcvt.f32.s32 v3;
	v4 =	vcvt.f32.s32 v4;
	v0 =	vshll.u32 v0, $0x4  }
0x174: {  	v5 =	vcvt.f32.s32 v5;
	v6 =	vcvt.f32.s32 v6;
	v0 =	vor.u32 v1, v0  }
0x175: {  	v7 =	vcvt.f32.s32 v7;
	v1 =	vcvt.f32.s32 v2  }
0x176: {  	v2 =	vmul.f32 $1.600000000e+01, v13;
	v13 =	vmul.f32 $1.600000000e+01, v14  }
0x177: {  	v16 =	vld [tilespmem:s25+$0x8100];
	v14 =	vmul.f32 $1.600000000e+01, v15;
	v15 =	vcvt.f32.s32 v8  }
0x178: {  	v29 =	vld [tilespmem:s25+$0x81B0];
	v8 =	vtrunc.f32 v10;
	v10 =	vtrunc.f32 v11  }
0x179: {  	v11 =	vtrunc.f32 v12;
	v8 =	vcvt.f32.s32 v8;
	v21 =	vld.idx.msk [tilespmem:v0+s2+$0x0], $0xffff  }
0x17a: {  	v10 =	vcvt.f32.s32 v10;
	v0 =	vtrunc.f32 v9;
	v9 =	vld [tilespmem:s25+$0x8170]  }
0x17b: {  	v12 =	vld [tilespmem:s25+$0x81F0];
	v11 =	vcvt.f32.s32 v11;
	v2 =	vtrunc.f32 v2  }
0x17c: {  	v13 =	vtrunc.f32 v13;
	v14 =	vtrunc.f32 v14  }
0x17d: {  	v17 =	vld [tilespmem:s25+$0x8110];
	v4 =	vshll.u32 v4, $0x4;
	v19 =	vcvt.f32.s32 v2;
	v20 =	vcvt.f32.s32 v13  }
0x17e: {  	v2 =	vshll.u32 v3, $0x4;
	v3 =	vld [tilespmem:s25+$0x8130];
	v22 =	vcvt.f32.s32 v14;
	v14 =	vmul.f32 $1.600000000e+01, v16  }
0x17f: {  	v13 =	vld [tilespmem:s25+$0x8140];
	v30 =	vor.u32 v10, v4;
	v10 =	vmul.f32 $1.600000000e+01, v29;
	v9 =	vmul.f32 $1.600000000e+01, v9  }
0x180: {  	v23 =	vld [tilespmem:s25+$0x8160];
	v5 =	vshll.u32 v5, $0x4;
	v12 =	vmul.f32 $1.600000000e+01, v12;
	v25 =	vtrunc.f32 v14  }
0x181: {  	v1 =	vshll.u32 v1, $0x4;
	v16 =	vld [tilespmem:s25+$0x8150];
	v0 =	vcvt.f32.s32 v0;
	v9 =	vtrunc.f32 v9  }
0x182: {  	v27 =	vor.u32 v8, v2;
	v12 =	vtrunc.f32 v12;
	v9 =	vcvt.f32.s32 v9  }
0x183: {  	v24 =	vor.u32 v0, v1;
	v0 =	vld [tilespmem:s25+$0x8180];
	v1 =	vmul.f32 $1.600000000e+01, v17;
	v12 =	vcvt.f32.s32 v12  }
0x184: {  	v17 =	vld [tilespmem:s25+$0x8190];
	v3 =	vmul.f32 $1.600000000e+01, v3;
	v26 =	vmul.f32 $1.600000000e+01, v13;
	v9 =	vshll.u32 v9, $0x4  }
0x185: {  	s23 =	sand.u32 $0x3000, s23;
	s26 =	simm.s32 $0x0;
	v31 =	vld [tilespmem:s25+$0x81C0];
	v13 =	vtrunc.f32 v18;
	v18 =	vmul.f32 $1.600000000e+01, v23;
	v9 =	vor.u32 v12, v9  }
0x186: {  	s1 =	sand.u32 $0x380, s26;
	s0 =	sor.u32 s24, s23;
	v2 =	vor.u32 v11, v5;
	v11 =	vld [tilespmem:s25+$0x81D0];
	v28 =	vtrunc.f32 v1;
	v1 =	vmul.f32 $1.600000000e+01, v16  }
0x187: {  	s24 =	sor.u32 s0, s1;
	v6 =	vshll.u32 v6, $0x4;
	v14 =	vtrunc.f32 v3;
	v16 =	vtrunc.f32 v26;
	v12 =	vld [tilespmem:s25+$0x81A0]  }
0x188: {  	s23 =	sadd.s32 $0x14100, s24;
	v18 =	vtrunc.f32 v18;
	v4 =	vmul.f32 $1.600000000e+01, v0;
	v0 =	vor.u32 v19, v6;
	v19 =	vld [tilespmem:s25+$0x81E0]  }
0x189: {  	v3 =	vshll.u32 v7, $0x4;
	[tilespmem:s23+$0x70] =	vst v21;
	v21 =	vcvt.f32.s32 v28;
	v5 =	vmul.f32 $1.600000000e+01, v17;
	v6 =	vld.idx.msk [tilespmem:v24+s2+$0x0], $0xffff  }
0x18a: {  	s31 =	simm.s32 $0x20;
	s26 =	simm.s32 $0x80;
	v17 =	vtrunc.f32 v1;
	v1 =	vor.u32 v20, v3;
	v3 =	vshll.u32 v15, $0x4;
	v8 =	vld.idx.msk [tilespmem:v9+s2+$0x0], $0xffff  }
0x18b: {  	s30 =	sand.u32 $0x380, s31;
	s0 =	sand.u32 $0x3000, s26;
	v20 =	vcvt.f32.s32 v25;
	v15 =	vmul.f32 $1.600000000e+01, v11;
	v11 =	vld.idx.msk [tilespmem:v30+s2+$0x0], $0xffff;
	v3 =	vor.u32 v22, v3  }
0x18c: {  	s29 =	sor.u32 s28, s0;
	s28 =	simm.s32 $0x2;
	s25 =	simm.s32 $0x8;
	v7 =	vmul.f32 $1.600000000e+01, v12;
	v12 =	vmul.f32 $1.600000000e+01, v31;
	v9 =	vld.idx.msk [tilespmem:v27+s2+$0x0], $0xffff  }
.LBB2_8:
0x18d: {  	s25 =	sadd.s32 $0x8, s25;
	s0 =	sshll.u32 s28, $0xA;
	v20 =	vshll.u32 v20, $0x4;
	s1 =	sor.u32 s29, s30;
	v13 =	vcvt.f32.s32 v13;
	v19 =	vmul.f32 $1.600000000e+01, v19;
	v2 =	vld.idx.msk [tilespmem:v2+s2+$0x0], $0xffff  }
0x18e: {  	v14 =	vcvt.f32.s32 v14;
	v16 =	vcvt.f32.s32 v16;
	s30 =	sshll.u32 s25, $0x5;
	s29 =	sand.u32 $0xC00, s0;
	s0 =	sadd.s32 $0x14100, s1;
	v21 =	vshll.u32 v21, $0x4;
	v0 =	vld.idx.msk [tilespmem:v0+s2+$0x0], $0xffff  }
0x18f: {  	v17 =	vcvt.f32.s32 v17;
	v18 =	vcvt.f32.s32 v18;
	p0 =	slt.u32 s25, $0x3F8;
	s30 =	sand.u32 $0x3FFFFC00, s30;
	s31 =	sshrl.u32 s29, $0x2;
	v13 =	vshll.u32 v13, $0x4;
	[tilespmem:s0+$0x70] =	vst v8;
	v1 =	vld.idx.msk [tilespmem:v1+s2+$0x0], $0xffff  }
0x190: {  	v4 =	vtrunc.f32 v4;
	v5 =	vtrunc.f32 v5;
	v8 =	vshll.u32 v14, $0x4;
	s30 =	sor.u32 s31, s30;
	[tilespmem:s24+$0x14100] =	vst v6;
	v3 =	vld.idx.msk [tilespmem:v3+s2+$0x0], $0xffff;
	s24 =	smov.u32 s1  }
0x191: {  	v7 =	vtrunc.f32 v7;
	v10 =	vtrunc.f32 v10;
	v14 =	vshll.u32 v16, $0x4;
	v6 =	vld [tilespmem:s30+$0x8170];
	[tilespmem:s23+$0x10] =	vst v9  }
0x192: {  	v12 =	vtrunc.f32 v12;
	v15 =	vtrunc.f32 v15;
	v16 =	vshll.u32 v17, $0x4;
	v9 =	vld [tilespmem:s30+$0x81F0];
	[tilespmem:s23+$0x20] =	vst v11  }
0x193: {  	v4 =	vcvt.f32.s32 v4;
	v17 =	vtrunc.f32 v19;
	v18 =	vshll.u32 v18, $0x4;
	v11 =	vld [tilespmem:s30+$0x8100];
	[tilespmem:s23+$0x30] =	vst v2  }
0x194: {  	v2 =	vcvt.f32.s32 v5;
	v5 =	vcvt.f32.s32 v7;
	v19 =	vld [tilespmem:s30+$0x8110];
	[tilespmem:s23+$0x40] =	vst v0  }
0x195: {  	v20 =	vor.u32 v4, v20;
	v4 =	vcvt.f32.s32 v12;
	v0 =	vcvt.f32.s32 v10;
	v7 =	vld [tilespmem:s30+$0x8120];
	[tilespmem:s23+$0x50] =	vst v1  }
0x196: {  	v21 =	vor.u32 v2, v21;
	v10 =	vld [tilespmem:s30+$0x8130];
	v1 =	vmul.f32 $1.600000000e+01, v6;
	v6 =	vcvt.f32.s32 v15;
	[tilespmem:s23+$0x60] =	vst v3;
	s23 =	smov.u32 s0  }
0x197: {  	v22 =	vor.u32 v5, v13;
	v5 =	vcvt.f32.s32 v17;
	v3 =	vld [tilespmem:s30+$0x8140];
	v9 =	vmul.f32 $1.600000000e+01, v9  }
0x198: {  	v2 =	vor.u32 v0, v8;
	v11 =	vmul.f32 $1.600000000e+01, v11;
	v12 =	vld [tilespmem:s30+$0x8150];
	v1 =	vtrunc.f32 v1  }
0x199: {  	v0 =	vor.u32 v4, v14;
	v8 =	vld [tilespmem:s30+$0x8160];
	v13 =	vcvt.f32.s32 v1;
	v1 =	vtrunc.f32 v9  }
0x19a: {  	v9 =	vmul.f32 $1.600000000e+01, v19;
	v4 =	vld [tilespmem:s30+$0x8180];
	v14 =	vcvt.f32.s32 v1;
	v1 =	vor.u32 v6, v16  }
0x19b: {  	v7 =	vmul.f32 $1.600000000e+01, v7;
	v6 =	vld [tilespmem:s30+$0x8190];
	v10 =	vmul.f32 $1.600000000e+01, v10;
	v13 =	vshll.u32 v13, $0x4  }
0x19c: {  	v11 =	vtrunc.f32 v11;
	v15 =	vld [tilespmem:s30+$0x81A0];
	v16 =	vmul.f32 $1.600000000e+01, v3;
	v23 =	vor.u32 v14, v13  }
0x19d: {  	v24 =	vtrunc.f32 v9;
	v3 =	vor.u32 v5, v18;
	v9 =	vld [tilespmem:s30+$0x81B0];
	v12 =	vmul.f32 $1.600000000e+01, v12  }
0x19e: {  	v13 =	vtrunc.f32 v7;
	v25 =	vld [tilespmem:s30+$0x81C0];
	v18 =	vmul.f32 $1.600000000e+01, v8  }
0x19f: {  	v14 =	vtrunc.f32 v10;
	v4 =	vmul.f32 $1.600000000e+01, v4;
	v26 =	vld [tilespmem:s30+$0x81D0]  }
.Ltmp3:
0x1a0: {  	v16 =	vtrunc.f32 v16;
	v5 =	vmul.f32 $1.600000000e+01, v6;
	v19 =	vld [tilespmem:s30+$0x81E0];
	(pc) =	sbr.rel @p0 .LBB2_8-.Ltmp3, $4  }
0x1a1: {  	v17 =	vtrunc.f32 v12;
	v7 =	vmul.f32 $1.600000000e+01, v15;
	v8 =	vld.idx.msk [tilespmem:v23+s2+$0x0], $0xffff  }
0x1a2: {  	s26 =	sadd.s32 $0x80, s26;
	v18 =	vtrunc.f32 v18;
	v10 =	vmul.f32 $1.600000000e+01, v9;
	v6 =	vld.idx.msk [tilespmem:v20+s2+$0x0], $0xffff  }
0x1a3: {  	s1 =	sshll.u32 s25, $0x2;
	s0 =	sand.u32 $0x3000, s26;
	v20 =	vcvt.f32.s32 v11;
	v12 =	vmul.f32 $1.600000000e+01, v25;
	v9 =	vld.idx.msk [tilespmem:v21+s2+$0x0], $0xffff  }
0x1a4: {  	s28 =	sadd.s32 $0x1, s28;
	s29 =	sor.u32 s29, s0;
	s30 =	sand.u32 $0x380, s1;
	v21 =	vcvt.f32.s32 v24;
	v15 =	vmul.f32 $1.600000000e+01, v26;
	v11 =	vld.idx.msk [tilespmem:v22+s2+$0x0], $0xffff  }
0x1a5: {  	v13 =	vcvt.f32.s32 v13;
	v19 =	vmul.f32 $1.600000000e+01, v19  }
0x1a6: {  	v14 =	vcvt.f32.s32 v14;
	v16 =	vcvt.f32.s32 v16  }
0x1a7: {  	v17 =	vcvt.f32.s32 v17;
	v18 =	vcvt.f32.s32 v18  }
0x1a8: {  	v4 =	vtrunc.f32 v4;
	v5 =	vtrunc.f32 v5  }
0x1a9: {  	v7 =	vtrunc.f32 v7;
	v10 =	vtrunc.f32 v10  }
0x1aa: {  	v20 =	vshll.u32 v20, $0x4;
	v12 =	vtrunc.f32 v12;
	v4 =	vcvt.f32.s32 v4  }
0x1ab: {  	v21 =	vshll.u32 v21, $0x4;
	v5 =	vcvt.f32.s32 v5;
	v7 =	vcvt.f32.s32 v7  }
0x1ac: {  	s0 =	sor.u32 s29, s30;
	v10 =	vcvt.f32.s32 v10;
	v55 =	vtrunc.f32 v15;
	v4 =	vor.u32 v4, v20  }
0x1ad: {  	v2 =	vld.idx.msk [tilespmem:v2+s2+$0x0], $0xffff;
	s1 =	sadd.s32 $0x14100, s0;
	v12 =	vcvt.f32.s32 v12;
	v13 =	vshll.u32 v13, $0x4;
	v5 =	vor.u32 v5, v21  }
0x1ae: {  	v0 =	vld.idx.msk [tilespmem:v0+s2+$0x0], $0xffff;
	v14 =	vshll.u32 v14, $0x4;
	v16 =	vshll.u32 v16, $0x4;
	[tilespmem:s1+$0x70] =	vst v8;
	v7 =	vor.u32 v7, v13  }
0x1af: {  	v1 =	vld.idx.msk [tilespmem:v1+s2+$0x0], $0xffff;
	[tilespmem:s24+$0x14100] =	vst v6;
	v56 =	vtrunc.f32 v19;
	v8 =	vcvt.f32.s32 v55;
	v10 =	vor.u32 v10, v14  }
0x1b0: {  	v3 =	vld.idx.msk [tilespmem:v3+s2+$0x0], $0xffff;
	v57 =	vshll.u32 v17, $0x4;
	[tilespmem:s23+$0x10] =	vst v9;
	v6 =	vcvt.f32.s32 v56;
	v12 =	vor.u32 v12, v16  }
0x1b1: {  	v58 =	vshll.u32 v18, $0x4;
	[tilespmem:s23+$0x20] =	vst v11;
	v8 =	vor.u32 v8, v57;
	v4 =	vld.idx.msk [tilespmem:v4+s2+$0x0], $0xffff  }
0x1b2: {  	[tilespmem:s23+$0x30] =	vst v2;
	v59 =	vor.u32 v6, v58;
	v5 =	vld.idx.msk [tilespmem:v5+s2+$0x0], $0xffff  }
0x1b3: {  	[tilespmem:s23+$0x40] =	vst v0;
	v60 =	vld.idx.msk [tilespmem:v7+s2+$0x0], $0xffff  }
0x1b4: {  	[tilespmem:s23+$0x50] =	vst v1;
	v61 =	vld.idx.msk [tilespmem:v10+s2+$0x0], $0xffff  }
0x1b5: {  	[tilespmem:s23+$0x60] =	vst v3;
	v62 =	vld.idx.msk [tilespmem:v12+s2+$0x0], $0xffff  }
0x1b6: {  	v63 =	vld.idx.msk [tilespmem:v8+s2+$0x0], $0xffff;
	[tilespmem:s0+$0x14100] =	vst v4  }
0x1b7: {  	v2 =	vld.idx.msk [tilespmem:v59+s2+$0x0], $0xffff;
	[tilespmem:s1+$0x10] =	vst v5  }
0x1b8: {  	[tilespmem:s1+$0x20] =	vst v60  }
0x1b9: {  	[tilespmem:s1+$0x30] =	vst v61  }
0x1ba: {  	[tilespmem:s1+$0x40] =	vst v62  }
0x1bb: {  	[tilespmem:s1+$0x50] =	vst v63  }
0x1bc: {  	s22 =	sadd.s32 $0x1, s22;
	[tilespmem:s1+$0x60] =	vst v2  }
0x1bd: {  	[hbm4b:s11+s2] =	stream.linear.scatter [tilespmem:s19], [sflag:$0x4], $0x4000, $0x38;
	[tilespmem:$0x18100] =	vst v63  }
0x1be: {  	p0 =	sne.s32 s22, s12;
	_ =	swait.ge [sflag:s20], $0x4000  }
.Ltmp4:
0x1bf: {  	[sflag:s20] =	ssyncset.done $0x0;
	(pc) =	sbr.rel @p0 .LBB2_1-.Ltmp4, $4  }
0x1c0: {  	[sflag:s20] =	ssyncadd.s32 $0xFFFFC000  }
0x1c1: {  	_ =	swait.ge [sflag:s21], $0x4000  }
0x1c2: {  	[sflag:s21] =	ssyncset.done $0x0  }
0x1c3: {  	[sflag:s21] =	ssyncadd.s32 $0xFFFFC000  }
0x1c4: {  	_ =	sfence.sel $0x180000  }
0x1c5: {  	[bflag:$0x0] =	sbarrier.arrive $0xFFFF  }
0x1c6: {  	_ =	strace $0x90000047  }
0x1c7: {  	s0 =	stileid.u32;
	[bflag:$0x2] =	sbarrier.arrive $0xFFFF  }
0x1c8: {  	p0 =	sne.s32 s0, $0x0;
	s0 =	rddreg [dreg:$0x3]  }
0x1c9: {  	s0 =	sadd.s32 @!p0 $0x100000, s0  }
0x1ca: {  	[sflag:s0] =	ssyncadd.tile.s32 @!p0 $0x1;
	_ =	shalt  }
.Lfunc_end2:
_tile_overlayer_lowered:
.L_overlay_start_2:
0x1cb: {  	(tag) =	ssettag $0x2  }
0x1cc: {  	s0 =	rddreg [dreg:$0x0];
	s2 =	stileid.u32  }
0x1cd: {  	s1 =	rddreg [dreg:$0x1];
	p0 =	sne.s32 s2, $0x0  }
0x1ce: {  	s3 =	rddreg [dreg:$0x2];
	[bflag:$0x3] =	sbarrier.arrive $0xFFFF;
	s2 =	simm.s32 @!p0 $0x1C06  }
0x1cf: {  	[timem:s3], [sflag:s2] =	dma.local @!p0 [hbm:s0], s1  }
0x1d0: {  	s0 =	simm.s32 @!p0 $0x6  }
0x1d1: {  	_ =	swait.ge @!p0 [sflag:s0], s1  }
0x1d2: {  	s1 =	ssub.s32 @!p0 $0x0, s1;
	[sflag:s0] =	ssyncset.done @!p0 $0x0  }
0x1d3: {  	[sflag:s0] =	ssyncadd.s32 @!p0 s1  }
0x1d4: {  	[bflag:$0x3] =	sbarrier.arrive $0xFFFF  }
0x1d5: {  	_ =	shalt  }

</sc_bundles>
